<compile_context>
chip_gen: v7x
topology: tpu7x:2x2x1
jax: 0.10.2.dev20260603
libtpu: 0.0.44.dev20260713+nightly
codegen_flags: <defaults>
</compile_context>

<pallas_src>
import functools

import jax
import jax.numpy as jnp
from jax import lax
from jax.experimental import pallas as pl
from jax.experimental.pallas import tpu as pltpu
from jax.experimental.pallas import tpu_sc as plsc

N = 10000
E = 320000
HH = 8
DD = 16
F32 = jnp.float32

NC = 2
NS = 16
NW = NC * NS
EPW = E // NW
CH = 80
NCHUNK = EPW // CH
NPS = N // NS
BE = 5000

def _sds(shape):
    return jax.ShapeDtypeStruct(shape, F32)



def _tca_body(x_ref, ang_ref, qw, qb, kw, kb, vw, vb, sw2, sb2, pm, awm, vem,
              ka_ref, qa_ref, g_ref, qt_ref):
    th = ang_ref[...] * sw2[...] + sb2[...]
    c = jnp.cos(th)
    s = jnp.sin(th)
    xb = x_ref[...]
    q = jnp.dot(xb, qw[...], preferred_element_type=F32) + qb[...]
    k = jnp.dot(xb, kw[...], preferred_element_type=F32) + kb[...]
    v = jnp.dot(xb, vw[...], preferred_element_type=F32) + vb[...]
    qr = q * c + jnp.dot(q, pm[...], preferred_element_type=F32) * s
    kr = k * c + jnp.dot(k, pm[...], preferred_element_type=F32) * s
    ka_ref[...] = jnp.dot(kr, awm[...], preferred_element_type=F32)
    qa_ref[...] = jnp.dot(qr, awm[...], preferred_element_type=F32)
    g_ref[...] = v + jnp.dot(kr, vem[...], preferred_element_type=F32)
    qt_ref[...] = jnp.dot(qr, vem[...], preferred_element_type=F32)


def _tcl_body(tha_ref, lt_ref):
    lt_ref[...] = jnp.log(tha_ref[...])


def _tcb_body(ea_ref, lt_ref, pw, ew, eb, pme, aph, vem, eA_ref, et_ref):
    b = pl.program_id(0)
    lanes = lax.broadcasted_iota(jnp.int32, (1, 128), 1)
    pv = jnp.sum(jnp.where(lanes == 2 * b, pw[...], 0.0))
    eth = jnp.exp(pv * lt_ref[...])
    co = jnp.cos(eth)
    si = jnp.sin(eth)
    co2 = jnp.concatenate([co, co], axis=0)
    si2 = jnp.concatenate([si, si], axis=0)
    e2 = jnp.dot(ea_ref[...], ew[...], preferred_element_type=F32) + eb[...]
    er = e2 * co2 + jnp.dot(e2, pme[...], preferred_element_type=F32) * si2
    er3 = er.reshape(BE // 8, 8, 128)
    packed = None
    for j in range(HH):
        t = jnp.dot(er3[:, j, :], aph[j], preferred_element_type=F32)
        packed = t if packed is None else packed + t
    eA_ref[0] = packed
    et_ref[...] = jnp.dot(er, vem[...], preferred_element_type=F32)


def _tcd_body(u_ref, ea_ref, gs_ref, et_ref, eb_ref,
              eww, ewb, bph, y_ref, we_ref, p_ref):
    s2 = jnp.clip((u_ref[...] + ea_ref[...]) * (1.0 / 3.0), -5.0, 5.0)
    p2 = jnp.exp(s2)
    p_ref[...] = p2
    bphv = bph[...]
    m = u_ref.shape[0]
    ps2 = jnp.concatenate([p2, s2], axis=0)
    qs = [jnp.dot(ps2, bphv[j], preferred_element_type=F32)
          for j in range(HH)]
    st = jnp.stack(qs, axis=1)
    p128 = st[:m].reshape(m * 8, 128)
    s128 = st[m:].reshape(m * 8, 128)
    y_ref[...] = p128 * (gs_ref[...] + et_ref[...])
    we_ref[...] = (jnp.dot(eb_ref[...], eww[...], preferred_element_type=F32)
                   + ewb[...]) * s128


def _tce_body(p0_ref, p1_ref, s0_ref, s1_ref, qt_ref, brep, out_ref):
    sst = jnp.dot(s0_ref[...] + s1_ref[...], brep[...],
                  preferred_element_type=F32)
    out_ref[...] = (p0_ref[...] + p1_ref[...] + sst * qt_ref[...]) / (
        sst + 1e-16)


def _rowspec(bn, bd):
    return pl.BlockSpec((bn, bd), lambda i: (i, 0))


def _wspec(shape):
    return pl.BlockSpec(shape, lambda i: (0,) * len(shape))




@functools.cache
def _build_sc_kernels():
    mesh = plsc.VectorSubcoreMesh(core_axis_name="c", subcore_axis_name="s")
    return _make_sc_gather1(mesh), _make_sc_scatter(mesh)


def _make_sc_gather1(mesh):
    @functools.partial(
        pl.kernel,
        compiler_params=pltpu.CompilerParams(use_tc_tiling_on_sc=False),
        out_type=(_sds((E, 16)), _sds((E, 128))),
        mesh=mesh,
        scratch_types=[
            pltpu.VMEM((CH,), jnp.int32), pltpu.VMEM((CH,), jnp.int32),
            pltpu.VMEM((CH,), jnp.int32), pltpu.VMEM((CH,), jnp.int32),
            pltpu.VMEM((CH, 16), F32), pltpu.VMEM((CH, 16), F32),
            pltpu.VMEM((CH, 16), F32), pltpu.VMEM((CH, 16), F32),
            pltpu.VMEM((CH, 128), F32), pltpu.VMEM((CH, 128), F32),
            pltpu.SemaphoreType.DMA,
            pltpu.SemaphoreType.DMA, pltpu.SemaphoreType.DMA,
            pltpu.SemaphoreType.DMA, pltpu.SemaphoreType.DMA,
        ],
    )
    def _sc_gather1(src_hbm, dst_hbm, ka_hbm, qa_hbm, g_hbm,
                    u_hbm, gs_hbm,
                    si0, si1, di0, di1, u0, u1, q0, q1, g0, g1,
                    isem, gs0, gs1, ws0, ws1):
        SI = (si0, si1)
        DI = (di0, di1)
        UU = (u0, u1)
        QQ = (q0, q1)
        GG = (g0, g1)
        GSEM = (gs0, gs1)
        WSEM = (ws0, ws1)
        wid = lax.axis_index("s") * NC + lax.axis_index("c")
        base = wid * EPW

        def _issue_gathers(c_off, b):
            pltpu.async_copy(ka_hbm.at[SI[b]], UU[b], GSEM[b])
            pltpu.async_copy(qa_hbm.at[DI[b]], QQ[b], GSEM[b])
            pltpu.async_copy(g_hbm.at[SI[b]], GG[b], GSEM[b])

        def _wait_gathers(b):
            pltpu.make_async_copy(ka_hbm.at[SI[b]], UU[b], GSEM[b]).wait()
            pltpu.make_async_copy(qa_hbm.at[DI[b]], QQ[b], GSEM[b]).wait()
            pltpu.make_async_copy(g_hbm.at[SI[b]], GG[b], GSEM[b]).wait()

        def _sum_rows(b):
            ub, qb = UU[b], QQ[b]

            def add_row(i, carry):
                ub[i, :] = ub[i, :] + qb[i, :]
                return carry

            lax.fori_loop(0, CH, add_row, 0)

        def _issue_writes(off, b):
            pltpu.async_copy(UU[b], u_hbm.at[pl.ds(off, CH)], WSEM[b])
            pltpu.async_copy(GG[b], gs_hbm.at[pl.ds(off, CH)], WSEM[b])

        def _drain_writes(off, b):
            pltpu.make_async_copy(UU[b], u_hbm.at[pl.ds(off, CH)],
                                  WSEM[b]).wait()
            pltpu.make_async_copy(GG[b], gs_hbm.at[pl.ds(off, CH)],
                                  WSEM[b]).wait()

        pltpu.sync_copy(src_hbm.at[pl.ds(base, CH)], SI[0])
        pltpu.sync_copy(dst_hbm.at[pl.ds(base, CH)], DI[0])
        _issue_gathers(base, 0)
        pltpu.async_copy(src_hbm.at[pl.ds(base + CH, CH)], SI[1], isem)
        pltpu.async_copy(dst_hbm.at[pl.ds(base + CH, CH)], DI[1], isem)

        def pair(gidx, carry):
            for t in range(2):
                c = 1 + 2 * gidx + t
                b = (1, 0)[t]
                pb = 1 - b
                off = pl.multiple_of(base + c * CH, 8)
                pltpu.make_async_copy(
                    src_hbm.at[pl.ds(off, CH)], SI[b], isem).wait()
                pltpu.make_async_copy(
                    dst_hbm.at[pl.ds(off, CH)], DI[b], isem).wait()

                @pl.when(c >= 2)
                def _():
                    _drain_writes(pl.multiple_of(off - 2 * CH, 8), b)

                _issue_gathers(off, b)
                _wait_gathers(pb)
                _sum_rows(pb)
                _issue_writes(pl.multiple_of(off - CH, 8), pb)

                @pl.when(c + 1 < NCHUNK)
                def _():
                    noff = pl.multiple_of(off + CH, 8)
                    pltpu.async_copy(src_hbm.at[pl.ds(noff, CH)],
                                     SI[pb], isem)
                    pltpu.async_copy(dst_hbm.at[pl.ds(noff, CH)],
                                     DI[pb], isem)
            return carry

        lax.fori_loop(0, (NCHUNK - 1) // 2, pair, 0)

        last = pl.multiple_of(base + (NCHUNK - 1) * CH, 8)
        _wait_gathers(0)
        _sum_rows(0)
        pltpu.sync_copy(UU[0], u_hbm.at[pl.ds(last, CH)])
        pltpu.sync_copy(GG[0], gs_hbm.at[pl.ds(last, CH)])
        _drain_writes(pl.multiple_of(last - CH, 8), 1)

    return _sc_gather1


def _make_sc_scatter(mesh):
    @functools.partial(
        pl.kernel,
        compiler_params=pltpu.CompilerParams(use_tc_tiling_on_sc=False),
        out_type=(_sds((NC, N, 16)), _sds((NC, N, 128))),
        mesh=mesh,
        scratch_types=[
            pltpu.VMEM((CH,), jnp.int32), pltpu.VMEM((CH,), jnp.int32),
            pltpu.VMEM((CH, 16), F32), pltpu.VMEM((CH, 16), F32),
            pltpu.VMEM((CH, 128), F32), pltpu.VMEM((CH, 128), F32),
            pltpu.VMEM_SHARED((N, 16), F32),
            pltpu.VMEM_SHARED((N, 128), F32),
            pltpu.SemaphoreType.DMA, pltpu.SemaphoreType.DMA,
        ],
    )
    def _sc_scatter(dst_hbm, p_hbm, y_hbm, zin16_hbm, zin128_hbm,
                    outp_hbm, outy_hbm,
                    di0, di1, p0, p1, y0, y1, accp, accy, ls0, ls1):
        DI = (di0, di1)
        PV = (p0, p1)
        YV = (y0, y1)
        LSEM = (ls0, ls1)
        cid = lax.axis_index("c")
        sid = lax.axis_index("s")
        pltpu.sync_copy(zin16_hbm, accp.at[pl.ds(sid * NPS, NPS)])
        pltpu.sync_copy(zin128_hbm, accy.at[pl.ds(sid * NPS, NPS)])
        plsc.subcore_barrier()
        base = (sid * NC + cid) * EPW

        def _issue_loads(off, b):
            pltpu.async_copy(dst_hbm.at[pl.ds(off, CH)], DI[b], LSEM[b])
            pltpu.async_copy(p_hbm.at[pl.ds(off, CH)], PV[b], LSEM[b])
            pltpu.async_copy(y_hbm.at[pl.ds(off, CH)], YV[b], LSEM[b])

        def _wait_loads(off, b):
            pltpu.make_async_copy(
                dst_hbm.at[pl.ds(off, CH)], DI[b], LSEM[b]).wait()
            pltpu.make_async_copy(
                p_hbm.at[pl.ds(off, CH)], PV[b], LSEM[b]).wait()
            pltpu.make_async_copy(
                y_hbm.at[pl.ds(off, CH)], YV[b], LSEM[b]).wait()

        _issue_loads(base, 0)
        _issue_loads(base + CH, 1)

        def pair(gidx, carry):
            for t in range(2):
                c = 2 * gidx + t
                off = pl.multiple_of(base + c * CH, 8)
                _wait_loads(off, t)
                pltpu.sync_copy(PV[t], accp.at[DI[t]], add=True)
                pltpu.sync_copy(YV[t], accy.at[DI[t]], add=True)

                @pl.when(c + 2 < NCHUNK)
                def _():
                    _issue_loads(pl.multiple_of(off + 2 * CH, 8), t)
            return carry

        lax.fori_loop(0, (NCHUNK - 1) // 2, pair, 0)
        last = pl.multiple_of(base + (NCHUNK - 1) * CH, 8)
        _wait_loads(last, 0)
        pltpu.sync_copy(PV[0], accp.at[DI[0]], add=True)
        pltpu.sync_copy(YV[0], accy.at[DI[0]], add=True)

        plsc.subcore_barrier()

        @pl.when(sid == 0)
        def _():
            pltpu.sync_copy(accp, outp_hbm.at[cid])
            pltpu.sync_copy(accy, outy_hbm.at[cid])

    return _sc_scatter



def _prep_weights(Aw, VeRow, S_w, S_b):
    h_idx = jnp.repeat(jnp.arange(HH), DD)
    d_idx = jnp.tile(jnp.arange(DD), HH)
    a2 = Aw[:, :, 0]
    awm = jnp.zeros((128, 16), F32).at[h_idx * DD + d_idx, h_idx].set(
        a2[d_idx, h_idx])
    vh = jnp.transpose(VeRow, (1, 0, 2)) / 3.0
    vem = jnp.zeros((128, 128), F32)
    for h in range(HH):
        vem = vem.at[h * DD:(h + 1) * DD, h * DD:(h + 1) * DD].set(vh[h])
    pmn = jnp.zeros((128, 128), F32)
    jj = jnp.arange(8)
    for h in range(HH):
        o = h * DD
        pmn = pmn.at[o + 2 * jj + 1, o + jj].set(-1.0)
        pmn = pmn.at[o + 2 * jj, o + 8 + jj].set(1.0)
    ev = jnp.arange(0, 128, 2)
    pme = jnp.zeros((128, 128), F32)
    pme = pme.at[ev + 1, ev].set(-1.0)
    pme = pme.at[ev, ev + 1].set(1.0)
    sw2 = jnp.repeat(S_w, 2, axis=1)
    sb2 = jnp.repeat(S_b, 2).reshape(1, 128)
    pw = jnp.repeat(
        jnp.array([-2.0 * i / 128.0 for i in range(64)], F32), 2).reshape(1, 128)
    brep = jnp.zeros((16, 128), F32).at[h_idx, h_idx * DD + d_idx].set(1.0)
    aph = jnp.zeros((HH, 128, 128), F32)
    bph = jnp.zeros((HH, 128, 128), F32)
    for j in range(HH):
        aph = aph.at[j, :, DD * j:DD * (j + 1)].set(awm)
        bph = bph.at[j, DD * j:DD * (j + 1), :].set(brep)
    return awm, vem, pmn, pme, sw2, sb2, pw, brep, aph, bph


def kernel(x, edge_index, edge_attr, node_rotation_angles, edge_rotation_angles,
           Q_w, Q_b, K_w, K_b, E_w, E_b, Ew_w, Ew_b, V_w, V_b, Aw, VeRow,
           S_w, S_b):
    awm, vem, pmn, pme, sw2, sb2, pw, brep, aph, bph = _prep_weights(
        Aw, VeRow, S_w, S_b)
    sc_gather1, sc_scatter = _build_sc_kernels()
    src = edge_index[0]
    dst = edge_index[1]
    ang = node_rotation_angles.reshape(N, 1)
    tha = edge_rotation_angles.reshape(E // 128, 128)
    qb = Q_b.reshape(1, 128)
    kb = K_b.reshape(1, 128)
    vb = V_b.reshape(1, 128)
    ebias = E_b.reshape(1, 128)
    ewb = Ew_b.reshape(1, 128)

    bn = 1000
    ka16, qa16, g_tab, qt_tab = pl.pallas_call(
        _tca_body,
        grid=(N // bn,),
        in_specs=[
            _rowspec(bn, 128), _rowspec(bn, 1),
            _wspec((128, 128)), _wspec((1, 128)),
            _wspec((128, 128)), _wspec((1, 128)),
            _wspec((128, 128)), _wspec((1, 128)),
            _wspec((1, 128)), _wspec((1, 128)),
            _wspec((128, 128)), _wspec((128, 16)), _wspec((128, 128)),
        ],
        out_specs=[_rowspec(bn, 16), _rowspec(bn, 16),
                   _rowspec(bn, 128), _rowspec(bn, 128)],
        out_shape=[_sds((N, 16)), _sds((N, 16)),
                   _sds((N, 128)), _sds((N, 128))],
    )(x, ang, Q_w, qb, K_w, kb, V_w, vb, sw2, sb2, pmn, awm, vem)

    lt = pl.pallas_call(
        _tcl_body,
        grid=(1,),
        in_specs=[_wspec((E // 128, 128))],
        out_specs=_wspec((E // 128, 128)),
        out_shape=_sds((E // 128, 128)),
    )(tha)

    be = 512
    ea16, et_tab = pl.pallas_call(
        _tcb_body,
        grid=(E // BE,),
        in_specs=[
            _rowspec(BE, 128), _wspec((E // 128, 128)), _wspec((1, 128)),
            _wspec((128, 128)), _wspec((1, 128)),
            _wspec((128, 128)), _wspec((HH, 128, 128)), _wspec((128, 128)),
        ],
        out_specs=[pl.BlockSpec((1, BE // 8, 128), lambda i: (i, 0, 0)),
                   _rowspec(BE, 128)],
        out_shape=[_sds((E // BE, BE // 8, 128)), _sds((E, 128))],
    )(edge_attr, lt, pw, E_w, ebias, pme, aph, vem)
    ea16 = ea16.reshape(E // 8, 128)

    u16, gs = sc_gather1(src, dst, ka16, qa16, g_tab)
    u2 = u16.reshape(E // 8, 128)

    be = 2560
    y, we, p2 = pl.pallas_call(
        _tcd_body,
        grid=(E // be,),
        in_specs=[
            _rowspec(be // 8, 128), _rowspec(be // 8, 128),
            _rowspec(be, 128), _rowspec(be, 128), _rowspec(be, 128),
            _wspec((128, 128)), _wspec((1, 128)), _wspec((HH, 128, 128)),
        ],
        out_specs=[_rowspec(be, 128), _rowspec(be, 128),
                   _rowspec(be // 8, 128)],
        out_shape=[_sds((E, 128)), _sds((E, 128)), _sds((E // 8, 128))],
    )(u2, ea16, gs, et_tab, edge_attr, Ew_w, ewb, bph)

    zin16 = jnp.zeros((NPS, 16), F32)
    zin128 = jnp.zeros((NPS, 128), F32)
    ssp, wvp = sc_scatter(dst, p2.reshape(E, 16), y, zin16, zin128)

    wv = pl.pallas_call(
        _tce_body,
        grid=(N // bn,),
        in_specs=[
            _rowspec(bn, 128), _rowspec(bn, 128),
            _rowspec(bn, 16), _rowspec(bn, 16), _rowspec(bn, 128),
            _wspec((16, 128)),
        ],
        out_specs=_rowspec(bn, 128),
        out_shape=_sds((N, 128)),
    )(wvp[0], wvp[1], ssp[0], ssp[1], qt_tab, brep)

    return wv.reshape(N, HH, DD), we.reshape(E, HH, DD)

# --- scband reference (transcript-rebuilt; emitter-appended) ---
"""Pipeline reference for scband-multi-head-linear-attention-layer-29085518528620 (READ-ONLY COPY).

The authoritative reference and input builder live on the scoring server;
editing this copy changes nothing except your own understanding.
"""

import jax, jax.numpy as jnp
import numpy as np

N = 10000
E_EDGES = 320000
IN_DIM = 128
H = 8
D = 16
DTOT = 128
D_HALF = 64
CLAMP = 5.0


def _xavier(k, shape):
    std = (2.0 / (shape[0] + shape[-1])) ** 0.5
    return jax.random.normal(k, shape, dtype=jnp.float32) * std


def setup_inputs(seed: int = 0):
    key = jax.random.key(seed)
    ks = jax.random.split(key, 24)
    inp = {}
    inp['x'] = jax.random.normal(ks[0], (N, IN_DIM), dtype=jnp.float32)
    inp['edge_index'] = jax.random.randint(ks[1], (2, E_EDGES), 0, N, dtype=jnp.int32)
    inp['edge_attr'] = jax.random.normal(ks[2], (E_EDGES, IN_DIM), dtype=jnp.float32)
    inp['node_rotation_angles'] = jax.random.uniform(ks[3], (N, 1), dtype=jnp.float32)
    inp['edge_rotation_angles'] = jax.random.uniform(ks[4], (E_EDGES,), dtype=jnp.float32, minval=0.1, maxval=1.0)
    inp['Q_w'] = _xavier(ks[5], (IN_DIM, DTOT)); inp['Q_b'] = jnp.zeros((DTOT,), jnp.float32)
    inp['K_w'] = _xavier(ks[6], (IN_DIM, DTOT)); inp['K_b'] = jnp.zeros((DTOT,), jnp.float32)
    inp['E_w'] = _xavier(ks[7], (IN_DIM, DTOT)); inp['E_b'] = jnp.zeros((DTOT,), jnp.float32)
    inp['Ew_w'] = _xavier(ks[8], (IN_DIM, DTOT)); inp['Ew_b'] = jnp.zeros((DTOT,), jnp.float32)
    inp['V_w'] = _xavier(ks[9], (IN_DIM, DTOT)); inp['V_b'] = jnp.zeros((DTOT,), jnp.float32)
    inp['Aw'] = _xavier(ks[10], (D, H, 1))
    inp['VeRow'] = _xavier(ks[11], (D, H, D))
    inp['S_w'] = _xavier(ks[12], (1, D_HALF)); inp['S_b'] = jnp.zeros((D_HALF,), jnp.float32)
    return inp


def reference(x, edge_index, edge_attr, node_rotation_angles, edge_rotation_angles,
              Q_w, Q_b, K_w, K_b, E_w, E_b, Ew_w, Ew_b, V_w, V_b, Aw, VeRow, S_w, S_b):
    Q_h = (x @ Q_w + Q_b).reshape(-1, H, D)
    K_h = (x @ K_w + K_b).reshape(-1, H, D)
    V_h = (x @ V_w + V_b).reshape(-1, H, D)
    E = edge_attr @ E_w + E_b  # [Ee, DTOT], 2-D at rotation time, matching torch
    Ew = (edge_attr @ Ew_w + Ew_b).reshape(-1, H, D)

    # ---- apply_rotation (nodes) ----
    node_thetas = node_rotation_angles.reshape(-1, 1) @ S_w + S_b  # [N, D_HALF]
    node_thetas = jnp.repeat(node_thetas, 2, axis=1).reshape(Q_h.shape)
    cos_pos = jnp.cos(node_thetas); sin_pos = jnp.sin(node_thetas)
    q2 = jnp.stack([-Q_h[..., 1::2], Q_h[..., ::2]], axis=2).reshape(Q_h.shape)
    k2 = jnp.stack([-K_h[..., 1::2], K_h[..., ::2]], axis=2).reshape(K_h.shape)
    Q_h = Q_h * cos_pos + q2 * sin_pos
    K_h = K_h * cos_pos + k2 * sin_pos

    # ---- apply_rotation (edges) ----
    th = edge_rotation_angles.reshape(-1)
    power = jnp.repeat(jnp.array([-2.0 * i / DTOT for i in range(D_HALF)], dtype=jnp.float32), 2)
    eth = jnp.power(th[None, :], power[:, None]).reshape(E.shape)
    ecos = jnp.cos(eth); esin = jnp.sin(eth)
    e2 = jnp.stack([-E[..., 1::2], E[..., ::2]], axis=2).reshape(E.shape)
    E = E * ecos + e2 * esin
    E = E.reshape(-1, H, D)

    # ---- propagate_attention ----
    src_idx = edge_index[0]
    dst_idx = edge_index[1]
    score = (K_h[src_idx] + Q_h[dst_idx] + E) / 3.0
    e_t = score
    score = jnp.einsum('ehd,dhc->ehc', score, Aw)
    score = jnp.clip(score, -CLAMP, CLAMP)
    wE = Ew * score  # broadcast [Ee,H,D] * [Ee,H,1]
    # pyg_softmax over dst index
    smax = jax.ops.segment_max(score, dst_idx, num_segments=N)
    sexp = jnp.exp(score - smax[dst_idx])
    ssum = jax.ops.segment_sum(sexp, dst_idx, num_segments=N)
    attn = sexp / (ssum[dst_idx] + 1e-16)
    msg = V_h[src_idx] * attn
    wV = jax.ops.segment_sum(msg, dst_idx, num_segments=N)
    rowV = jax.ops.segment_sum(e_t * attn, dst_idx, num_segments=N)
    rowV = jnp.einsum('nhd,dhc->nhc', rowV, VeRow)
    wV = wV + rowV
    return (wV, wE)

if __name__ == "__main__":
    import jax
    _d = setup_inputs()
    print(jax.jit(kernel)(*tuple(_d.values())))

</pallas_src>

<mosaic_0001>
#map = affine_map<(d0, d1) -> (0)>
#map1 = affine_map<(d0, d1) -> (0, 0)>
#map2 = affine_map<(d0, d1) -> (0, 0, 0)>
module attributes {stable_mosaic.version = 14 : i64} {
  func.func @_sc_scatter(%arg0: i32, %arg1: i32, %arg2: memref<320000xi32, #tpu.memory_space<hbm>>, %arg3: memref<320000x16xf32, #tpu.memory_space<hbm>>, %arg4: memref<320000x128xf32, #tpu.memory_space<hbm>>, %arg5: memref<625x16xf32, #tpu.memory_space<hbm>>, %arg6: memref<625x128xf32, #tpu.memory_space<hbm>>, %arg7: memref<2x10000x16xf32, #tpu.memory_space<hbm>>, %arg8: memref<2x10000x128xf32, #tpu.memory_space<hbm>>, %arg9: memref<80xi32, #tpu.memory_space<vmem>>, %arg10: memref<80xi32, #tpu.memory_space<vmem>>, %arg11: memref<80x16xf32, #tpu.memory_space<vmem>>, %arg12: memref<80x16xf32, #tpu.memory_space<vmem>>, %arg13: memref<80x128xf32, #tpu.memory_space<vmem>>, %arg14: memref<80x128xf32, #tpu.memory_space<vmem>>, %arg15: memref<10000x16xf32, #tpu.memory_space<vmem_shared>>, %arg16: memref<10000x128xf32, #tpu.memory_space<vmem_shared>>, %arg17: memref<!tpu.dma_semaphore, #tpu.memory_space<semaphore_mem>>, %arg18: memref<!tpu.dma_semaphore, #tpu.memory_space<semaphore_mem>>) attributes {dimension_semantics = [#tpu.dimension_semantics<core_parallel>, #tpu.dimension_semantics<subcore_parallel>], iteration_bounds = array<i64: 2, 16>, scalar_prefetch = 0 : i64, scratch_operands = 10 : i64, tpu.core_type = #tpu.core_type<sc_vector_subcore>, window_params = [{transform_indices = #map}, {transform_indices = #map1}, {transform_indices = #map1}, {transform_indices = #map1}, {transform_indices = #map1}, {transform_indices = #map2}, {transform_indices = #map2}]} {
    %mul3A = arith.constant 625 : i32
    %mul3A_0 = arith.muli %arg1, %mul3A : i32
    "tpu.region"() ({
      %run_scoped3A = tpu.sem_alloc : memref<!tpu.dma_semaphore, #tpu.memory_space<semaphore_mem>>
      %dma_start3A_47 = arith.constant 0 : i32
      %dma_start3A_48 = tpu.memref_slice %arg15[%mul3A_0, %dma_start3A_47] : memref<10000x16xf32, #tpu.memory_space<vmem_shared>> -> memref<625x16xf32, #tpu.memory_space<vmem_shared>>
      tpu.enqueue_dma source(%arg5 : memref<625x16xf32, #tpu.memory_space<hbm>>) target(%dma_start3A_48 : memref<625x16xf32, #tpu.memory_space<vmem_shared>>) target_semaphore(%run_scoped3A : memref<!tpu.dma_semaphore, #tpu.memory_space<semaphore_mem>>)
      %dma_wait3A_49 = arith.constant 0 : i32
      %dma_wait3A_50 = tpu.memref_slice %arg15[%mul3A_0, %dma_wait3A_49] : memref<10000x16xf32, #tpu.memory_space<vmem_shared>> -> memref<625x16xf32, #tpu.memory_space<vmem_shared>>
      tpu.wait_dma2 semaphore(%run_scoped3A : memref<!tpu.dma_semaphore, #tpu.memory_space<semaphore_mem>>) src(%arg5 : memref<625x16xf32, #tpu.memory_space<hbm>>) dst(%dma_wait3A_50 : memref<625x16xf32, #tpu.memory_space<vmem_shared>>)
      tpu.yield
    }) : () -> ()
    %mul3A_1 = arith.constant 625 : i32
    %mul3A_2 = arith.muli %arg1, %mul3A_1 : i32
    "tpu.region"() ({
      %run_scoped3A = tpu.sem_alloc : memref<!tpu.dma_semaphore, #tpu.memory_space<semaphore_mem>>
      %dma_start3A_47 = arith.constant 0 : i32
      %dma_start3A_48 = tpu.memref_slice %arg16[%mul3A_2, %dma_start3A_47] : memref<10000x128xf32, #tpu.memory_space<vmem_shared>> -> memref<625x128xf32, #tpu.memory_space<vmem_shared>>
      tpu.enqueue_dma source(%arg6 : memref<625x128xf32, #tpu.memory_space<hbm>>) target(%dma_start3A_48 : memref<625x128xf32, #tpu.memory_space<vmem_shared>>) target_semaphore(%run_scoped3A : memref<!tpu.dma_semaphore, #tpu.memory_space<semaphore_mem>>)
      %dma_wait3A_49 = arith.constant 0 : i32
      %dma_wait3A_50 = tpu.memref_slice %arg16[%mul3A_2, %dma_wait3A_49] : memref<10000x128xf32, #tpu.memory_space<vmem_shared>> -> memref<625x128xf32, #tpu.memory_space<vmem_shared>>
      tpu.wait_dma2 semaphore(%run_scoped3A : memref<!tpu.dma_semaphore, #tpu.memory_space<semaphore_mem>>) src(%arg6 : memref<625x128xf32, #tpu.memory_space<hbm>>) dst(%dma_wait3A_50 : memref<625x128xf32, #tpu.memory_space<vmem_shared>>)
      tpu.yield
    }) : () -> ()
    %barrier3A = arith.constant 0 : index
    tpu.barrier barrier_id(%barrier3A)
    %mul3A_3 = arith.constant 2 : i32
    %mul3A_4 = arith.muli %arg1, %mul3A_3 : i32
    %add3A = arith.addi %mul3A_4, %arg0 : i32
    %mul3A_5 = arith.constant 10000 : i32
    %mul3A_6 = arith.muli %add3A, %mul3A_5 : i32
    %dma_start3A = tpu.memref_slice %arg2[%mul3A_6] : memref<320000xi32, #tpu.memory_space<hbm>> -> memref<80xi32, #tpu.memory_space<hbm>>
    %dma_start3A_7 = tpu.memref_slice %arg2[%mul3A_6] : memref<320000xi32, #tpu.memory_space<hbm>> -> memref<80xi32, #tpu.memory_space<hbm>>
    tpu.enqueue_dma source(%dma_start3A_7 : memref<80xi32, #tpu.memory_space<hbm>>) target(%arg9 : memref<80xi32, #tpu.memory_space<vmem>>) target_semaphore(%arg17 : memref<!tpu.dma_semaphore, #tpu.memory_space<semaphore_mem>>)
    %dma_start3A_8 = arith.constant 0 : i32
    %dma_start3A_9 = tpu.memref_slice %arg3[%mul3A_6, %dma_start3A_8] : memref<320000x16xf32, #tpu.memory_space<hbm>> -> memref<80x16xf32, #tpu.memory_space<hbm>>
    %dma_start3A_10 = arith.constant 0 : i32
    %dma_start3A_11 = tpu.memref_slice %arg3[%mul3A_6, %dma_start3A_10] : memref<320000x16xf32, #tpu.memory_space<hbm>> -> memref<80x16xf32, #tpu.memory_space<hbm>>
    tpu.enqueue_dma source(%dma_start3A_11 : memref<80x16xf32, #tpu.memory_space<hbm>>) target(%arg11 : memref<80x16xf32, #tpu.memory_space<vmem>>) target_semaphore(%arg17 : memref<!tpu.dma_semaphore, #tpu.memory_space<semaphore_mem>>)
    %dma_start3A_12 = arith.constant 0 : i32
    %dma_start3A_13 = tpu.memref_slice %arg4[%mul3A_6, %dma_start3A_12] : memref<320000x128xf32, #tpu.memory_space<hbm>> -> memref<80x128xf32, #tpu.memory_space<hbm>>
    %dma_start3A_14 = arith.constant 0 : i32
    %dma_start3A_15 = tpu.memref_slice %arg4[%mul3A_6, %dma_start3A_14] : memref<320000x128xf32, #tpu.memory_space<hbm>> -> memref<80x128xf32, #tpu.memory_space<hbm>>
    tpu.enqueue_dma source(%dma_start3A_15 : memref<80x128xf32, #tpu.memory_space<hbm>>) target(%arg13 : memref<80x128xf32, #tpu.memory_space<vmem>>) target_semaphore(%arg17 : memref<!tpu.dma_semaphore, #tpu.memory_space<semaphore_mem>>)
    %add3A_16 = arith.constant 80 : i32
    %add3A_17 = arith.addi %mul3A_6, %add3A_16 : i32
    %dma_start3A_18 = tpu.memref_slice %arg2[%add3A_17] : memref<320000xi32, #tpu.memory_space<hbm>> -> memref<80xi32, #tpu.memory_space<hbm>>
    %dma_start3A_19 = tpu.memref_slice %arg2[%add3A_17] : memref<320000xi32, #tpu.memory_space<hbm>> -> memref<80xi32, #tpu.memory_space<hbm>>
    tpu.enqueue_dma source(%dma_start3A_19 : memref<80xi32, #tpu.memory_space<hbm>>) target(%arg10 : memref<80xi32, #tpu.memory_space<vmem>>) target_semaphore(%arg18 : memref<!tpu.dma_semaphore, #tpu.memory_space<semaphore_mem>>)
    %dma_start3A_20 = arith.constant 0 : i32
    %dma_start3A_21 = tpu.memref_slice %arg3[%add3A_17, %dma_start3A_20] : memref<320000x16xf32, #tpu.memory_space<hbm>> -> memref<80x16xf32, #tpu.memory_space<hbm>>
    %dma_start3A_22 = arith.constant 0 : i32
    %dma_start3A_23 = tpu.memref_slice %arg3[%add3A_17, %dma_start3A_22] : memref<320000x16xf32, #tpu.memory_space<hbm>> -> memref<80x16xf32, #tpu.memory_space<hbm>>
    tpu.enqueue_dma source(%dma_start3A_23 : memref<80x16xf32, #tpu.memory_space<hbm>>) target(%arg12 : memref<80x16xf32, #tpu.memory_space<vmem>>) target_semaphore(%arg18 : memref<!tpu.dma_semaphore, #tpu.memory_space<semaphore_mem>>)
    %dma_start3A_24 = arith.constant 0 : i32
    %dma_start3A_25 = tpu.memref_slice %arg4[%add3A_17, %dma_start3A_24] : memref<320000x128xf32, #tpu.memory_space<hbm>> -> memref<80x128xf32, #tpu.memory_space<hbm>>
    %dma_start3A_26 = arith.constant 0 : i32
    %dma_start3A_27 = tpu.memref_slice %arg4[%add3A_17, %dma_start3A_26] : memref<320000x128xf32, #tpu.memory_space<hbm>> -> memref<80x128xf32, #tpu.memory_space<hbm>>
    tpu.enqueue_dma source(%dma_start3A_27 : memref<80x128xf32, #tpu.memory_space<hbm>>) target(%arg14 : memref<80x128xf32, #tpu.memory_space<vmem>>) target_semaphore(%arg18 : memref<!tpu.dma_semaphore, #tpu.memory_space<semaphore_mem>>)
    %scan3A = arith.constant 0 : i32
    %scan3A_28 = arith.constant 0 : i32
    %scan3A_29 = arith.constant 62 : i32
    %scan3A_30 = arith.addi %scan3A_28, %scan3A_29 : i32
    %scan3A_31 = arith.constant 1 : i32
    scf.for %scan3A_47 = %scan3A_28 to %scan3A_30 step %scan3A_31  : i32 {
      %mul3A_48 = arith.constant 2 : i32
      %mul3A_49 = arith.muli %mul3A_48, %scan3A_47 : i32
      %add3A_50 = arith.constant 0 : i32
      %add3A_51 = arith.addi %mul3A_49, %add3A_50 : i32
      %mul3A_52 = arith.constant 80 : i32
      %mul3A_53 = arith.muli %add3A_51, %mul3A_52 : i32
      %add3A_54 = arith.addi %mul3A_6, %mul3A_53 : i32
      %multiple_of3A_55 = tpu.assume_multiple %add3A_54, 8 : i32
      %dma_wait3A_56 = tpu.memref_slice %arg2[%multiple_of3A_55] : memref<320000xi32, #tpu.memory_space<hbm>> -> memref<80xi32, #tpu.memory_space<hbm>>
      %dma_wait3A_57 = tpu.memref_slice %arg2[%multiple_of3A_55] : memref<320000xi32, #tpu.memory_space<hbm>> -> memref<80xi32, #tpu.memory_space<hbm>>
      tpu.wait_dma2 semaphore(%arg17 : memref<!tpu.dma_semaphore, #tpu.memory_space<semaphore_mem>>) src(%dma_wait3A_57 : memref<80xi32, #tpu.memory_space<hbm>>) dst(%arg9 : memref<80xi32, #tpu.memory_space<vmem>>)
      %dma_wait3A_58 = arith.constant 0 : i32
      %dma_wait3A_59 = tpu.memref_slice %arg3[%multiple_of3A_55, %dma_wait3A_58] : memref<320000x16xf32, #tpu.memory_space<hbm>> -> memref<80x16xf32, #tpu.memory_space<hbm>>
      %dma_wait3A_60 = arith.constant 0 : i32
      %dma_wait3A_61 = tpu.memref_slice %arg3[%multiple_of3A_55, %dma_wait3A_60] : memref<320000x16xf32, #tpu.memory_space<hbm>> -> memref<80x16xf32, #tpu.memory_space<hbm>>
      tpu.wait_dma2 semaphore(%arg17 : memref<!tpu.dma_semaphore, #tpu.memory_space<semaphore_mem>>) src(%dma_wait3A_61 : memref<80x16xf32, #tpu.memory_space<hbm>>) dst(%arg11 : memref<80x16xf32, #tpu.memory_space<vmem>>)
      %dma_wait3A_62 = arith.constant 0 : i32
      %dma_wait3A_63 = tpu.memref_slice %arg4[%multiple_of3A_55, %dma_wait3A_62] : memref<320000x128xf32, #tpu.memory_space<hbm>> -> memref<80x128xf32, #tpu.memory_space<hbm>>
      %dma_wait3A_64 = arith.constant 0 : i32
      %dma_wait3A_65 = tpu.memref_slice %arg4[%multiple_of3A_55, %dma_wait3A_64] : memref<320000x128xf32, #tpu.memory_space<hbm>> -> memref<80x128xf32, #tpu.memory_space<hbm>>
      tpu.wait_dma2 semaphore(%arg17 : memref<!tpu.dma_semaphore, #tpu.memory_space<semaphore_mem>>) src(%dma_wait3A_65 : memref<80x128xf32, #tpu.memory_space<hbm>>) dst(%arg13 : memref<80x128xf32, #tpu.memory_space<vmem>>)
      "tpu.region"() ({
        %run_scoped3A = tpu.sem_alloc : memref<!tpu.dma_semaphore, #tpu.memory_space<semaphore_mem>>
        %dma_start3A_97 = arith.constant 0 : i32
        %dma_start3A_98 = arith.constant 0 : i32
        %dma_start3A_99 = tpu.memref_slice %arg15[%dma_start3A_97, %dma_start3A_98] : memref<10000x16xf32, #tpu.memory_space<vmem_shared>> -> memref<10000x16xf32, #tpu.memory_space<vmem_shared>>
        tpu.enqueue_indirect_dma source(%arg11 : memref<80x16xf32, #tpu.memory_space<vmem>>) target(%dma_start3A_99 : memref<10000x16xf32, #tpu.memory_space<vmem_shared>>) offsets(%arg9 : memref<80xi32, #tpu.memory_space<vmem>>) semaphore(%run_scoped3A : memref<!tpu.dma_semaphore, #tpu.memory_space<semaphore_mem>>) {add = true}
        %dma_wait3A_100 = arith.constant 0 : i32
        %dma_wait3A_101 = arith.constant 0 : i32
        %dma_wait3A_102 = tpu.memref_slice %arg15[%dma_wait3A_100, %dma_wait3A_101] : memref<10000x16xf32, #tpu.memory_space<vmem_shared>> -> memref<10000x16xf32, #tpu.memory_space<vmem_shared>>
        tpu.wait_indirect_dma semaphore(%run_scoped3A : memref<!tpu.dma_semaphore, #tpu.memory_space<semaphore_mem>>) src(%arg11 : memref<80x16xf32, #tpu.memory_space<vmem>>) dst(%dma_wait3A_102 : memref<10000x16xf32, #tpu.memory_space<vmem_shared>>)
        tpu.yield
      }) : () -> ()
      "tpu.region"() ({
        %run_scoped3A = tpu.sem_alloc : memref<!tpu.dma_semaphore, #tpu.memory_space<semaphore_mem>>
        %dma_start3A_97 = arith.constant 0 : i32
        %dma_start3A_98 = arith.constant 0 : i32
        %dma_start3A_99 = tpu.memref_slice %arg16[%dma_start3A_97, %dma_start3A_98] : memref<10000x128xf32, #tpu.memory_space<vmem_shared>> -> memref<10000x128xf32, #tpu.memory_space<vmem_shared>>
        tpu.enqueue_indirect_dma source(%arg13 : memref<80x128xf32, #tpu.memory_space<vmem>>) target(%dma_start3A_99 : memref<10000x128xf32, #tpu.memory_space<vmem_shared>>) offsets(%arg9 : memref<80xi32, #tpu.memory_space<vmem>>) semaphore(%run_scoped3A : memref<!tpu.dma_semaphore, #tpu.memory_space<semaphore_mem>>) {add = true}
        %dma_wait3A_100 = arith.constant 0 : i32
        %dma_wait3A_101 = arith.constant 0 : i32
        %dma_wait3A_102 = tpu.memref_slice %arg16[%dma_wait3A_100, %dma_wait3A_101] : memref<10000x128xf32, #tpu.memory_space<vmem_shared>> -> memref<10000x128xf32, #tpu.memory_space<vmem_shared>>
        tpu.wait_indirect_dma semaphore(%run_scoped3A : memref<!tpu.dma_semaphore, #tpu.memory_space<semaphore_mem>>) src(%arg13 : memref<80x128xf32, #tpu.memory_space<vmem>>) dst(%dma_wait3A_102 : memref<10000x128xf32, #tpu.memory_space<vmem_shared>>)
        tpu.yield
      }) : () -> ()
      %add3A_66 = arith.constant 2 : i32
      %add3A_67 = arith.addi %add3A_51, %add3A_66 : i32
      %lt3A = arith.constant 125 : i32
      %lt3A_68 = arith.cmpi slt, %add3A_67, %lt3A : i32
      %convert_element_type3A_69 = arith.extui %lt3A_68 : i1 to i32
      %cond3A_70 = arith.constant 0 : i32
      %cond3A_71 = arith.cmpi ne, %convert_element_type3A_69, %cond3A_70 : i32
      scf.if %cond3A_71 {
        %add3A_97 = arith.constant 160 : i32
        %add3A_98 = arith.addi %multiple_of3A_55, %add3A_97 : i32
        %multiple_of3A_99 = tpu.assume_multiple %add3A_98, 8 : i32
        %dma_start3A_100 = tpu.memref_slice %arg2[%multiple_of3A_99] : memref<320000xi32, #tpu.memory_space<hbm>> -> memref<80xi32, #tpu.memory_space<hbm>>
        %dma_start3A_101 = tpu.memref_slice %arg2[%multiple_of3A_99] : memref<320000xi32, #tpu.memory_space<hbm>> -> memref<80xi32, #tpu.memory_space<hbm>>
        tpu.enqueue_dma source(%dma_start3A_101 : memref<80xi32, #tpu.memory_space<hbm>>) target(%arg9 : memref<80xi32, #tpu.memory_space<vmem>>) target_semaphore(%arg17 : memref<!tpu.dma_semaphore, #tpu.memory_space<semaphore_mem>>)
        %dma_start3A_102 = arith.constant 0 : i32
        %dma_start3A_103 = tpu.memref_slice %arg3[%multiple_of3A_99, %dma_start3A_102] : memref<320000x16xf32, #tpu.memory_space<hbm>> -> memref<80x16xf32, #tpu.memory_space<hbm>>
        %dma_start3A_104 = arith.constant 0 : i32
        %dma_start3A_105 = tpu.memref_slice %arg3[%multiple_of3A_99, %dma_start3A_104] : memref<320000x16xf32, #tpu.memory_space<hbm>> -> memref<80x16xf32, #tpu.memory_space<hbm>>
        tpu.enqueue_dma source(%dma_start3A_105 : memref<80x16xf32, #tpu.memory_space<hbm>>) target(%arg11 : memref<80x16xf32, #tpu.memory_space<vmem>>) target_semaphore(%arg17 : memref<!tpu.dma_semaphore, #tpu.memory_space<semaphore_mem>>)
        %dma_start3A_106 = arith.constant 0 : i32
        %dma_start3A_107 = tpu.memref_slice %arg4[%multiple_of3A_99, %dma_start3A_106] : memref<320000x128xf32, #tpu.memory_space<hbm>> -> memref<80x128xf32, #tpu.memory_space<hbm>>
        %dma_start3A_108 = arith.constant 0 : i32
        %dma_start3A_109 = tpu.memref_slice %arg4[%multiple_of3A_99, %dma_start3A_108] : memref<320000x128xf32, #tpu.memory_space<hbm>> -> memref<80x128xf32, #tpu.memory_space<hbm>>
        tpu.enqueue_dma source(%dma_start3A_109 : memref<80x128xf32, #tpu.memory_space<hbm>>) target(%arg13 : memref<80x128xf32, #tpu.memory_space<vmem>>) target_semaphore(%arg17 : memref<!tpu.dma_semaphore, #tpu.memory_space<semaphore_mem>>)
      } else {
      }
      %mul3A_72 = arith.constant 2 : i32
      %mul3A_73 = arith.muli %mul3A_72, %scan3A_47 : i32
      %add3A_74 = arith.constant 1 : i32
      %add3A_75 = arith.addi %mul3A_73, %add3A_74 : i32
      %mul3A_76 = arith.constant 80 : i32
      %mul3A_77 = arith.muli %add3A_75, %mul3A_76 : i32
      %add3A_78 = arith.addi %mul3A_6, %mul3A_77 : i32
      %multiple_of3A_79 = tpu.assume_multiple %add3A_78, 8 : i32
      %dma_wait3A_80 = tpu.memref_slice %arg2[%multiple_of3A_79] : memref<320000xi32, #tpu.memory_space<hbm>> -> memref<80xi32, #tpu.memory_space<hbm>>
      %dma_wait3A_81 = tpu.memref_slice %arg2[%multiple_of3A_79] : memref<320000xi32, #tpu.memory_space<hbm>> -> memref<80xi32, #tpu.memory_space<hbm>>
      tpu.wait_dma2 semaphore(%arg18 : memref<!tpu.dma_semaphore, #tpu.memory_space<semaphore_mem>>) src(%dma_wait3A_81 : memref<80xi32, #tpu.memory_space<hbm>>) dst(%arg10 : memref<80xi32, #tpu.memory_space<vmem>>)
      %dma_wait3A_82 = arith.constant 0 : i32
      %dma_wait3A_83 = tpu.memref_slice %arg3[%multiple_of3A_79, %dma_wait3A_82] : memref<320000x16xf32, #tpu.memory_space<hbm>> -> memref<80x16xf32, #tpu.memory_space<hbm>>
      %dma_wait3A_84 = arith.constant 0 : i32
      %dma_wait3A_85 = tpu.memref_slice %arg3[%multiple_of3A_79, %dma_wait3A_84] : memref<320000x16xf32, #tpu.memory_space<hbm>> -> memref<80x16xf32, #tpu.memory_space<hbm>>
      tpu.wait_dma2 semaphore(%arg18 : memref<!tpu.dma_semaphore, #tpu.memory_space<semaphore_mem>>) src(%dma_wait3A_85 : memref<80x16xf32, #tpu.memory_space<hbm>>) dst(%arg12 : memref<80x16xf32, #tpu.memory_space<vmem>>)
      %dma_wait3A_86 = arith.constant 0 : i32
      %dma_wait3A_87 = tpu.memref_slice %arg4[%multiple_of3A_79, %dma_wait3A_86] : memref<320000x128xf32, #tpu.memory_space<hbm>> -> memref<80x128xf32, #tpu.memory_space<hbm>>
      %dma_wait3A_88 = arith.constant 0 : i32
      %dma_wait3A_89 = tpu.memref_slice %arg4[%multiple_of3A_79, %dma_wait3A_88] : memref<320000x128xf32, #tpu.memory_space<hbm>> -> memref<80x128xf32, #tpu.memory_space<hbm>>
      tpu.wait_dma2 semaphore(%arg18 : memref<!tpu.dma_semaphore, #tpu.memory_space<semaphore_mem>>) src(%dma_wait3A_89 : memref<80x128xf32, #tpu.memory_space<hbm>>) dst(%arg14 : memref<80x128xf32, #tpu.memory_space<vmem>>)
      "tpu.region"() ({
        %run_scoped3A = tpu.sem_alloc : memref<!tpu.dma_semaphore, #tpu.memory_space<semaphore_mem>>
        %dma_start3A_97 = arith.constant 0 : i32
        %dma_start3A_98 = arith.constant 0 : i32
        %dma_start3A_99 = tpu.memref_slice %arg15[%dma_start3A_97, %dma_start3A_98] : memref<10000x16xf32, #tpu.memory_space<vmem_shared>> -> memref<10000x16xf32, #tpu.memory_space<vmem_shared>>
        tpu.enqueue_indirect_dma source(%arg12 : memref<80x16xf32, #tpu.memory_space<vmem>>) target(%dma_start3A_99 : memref<10000x16xf32, #tpu.memory_space<vmem_shared>>) offsets(%arg10 : memref<80xi32, #tpu.memory_space<vmem>>) semaphore(%run_scoped3A : memref<!tpu.dma_semaphore, #tpu.memory_space<semaphore_mem>>) {add = true}
        %dma_wait3A_100 = arith.constant 0 : i32
        %dma_wait3A_101 = arith.constant 0 : i32
        %dma_wait3A_102 = tpu.memref_slice %arg15[%dma_wait3A_100, %dma_wait3A_101] : memref<10000x16xf32, #tpu.memory_space<vmem_shared>> -> memref<10000x16xf32, #tpu.memory_space<vmem_shared>>
        tpu.wait_indirect_dma semaphore(%run_scoped3A : memref<!tpu.dma_semaphore, #tpu.memory_space<semaphore_mem>>) src(%arg12 : memref<80x16xf32, #tpu.memory_space<vmem>>) dst(%dma_wait3A_102 : memref<10000x16xf32, #tpu.memory_space<vmem_shared>>)
        tpu.yield
      }) : () -> ()
      "tpu.region"() ({
        %run_scoped3A = tpu.sem_alloc : memref<!tpu.dma_semaphore, #tpu.memory_space<semaphore_mem>>
        %dma_start3A_97 = arith.constant 0 : i32
        %dma_start3A_98 = arith.constant 0 : i32
        %dma_start3A_99 = tpu.memref_slice %arg16[%dma_start3A_97, %dma_start3A_98] : memref<10000x128xf32, #tpu.memory_space<vmem_shared>> -> memref<10000x128xf32, #tpu.memory_space<vmem_shared>>
        tpu.enqueue_indirect_dma source(%arg14 : memref<80x128xf32, #tpu.memory_space<vmem>>) target(%dma_start3A_99 : memref<10000x128xf32, #tpu.memory_space<vmem_shared>>) offsets(%arg10 : memref<80xi32, #tpu.memory_space<vmem>>) semaphore(%run_scoped3A : memref<!tpu.dma_semaphore, #tpu.memory_space<semaphore_mem>>) {add = true}
        %dma_wait3A_100 = arith.constant 0 : i32
        %dma_wait3A_101 = arith.constant 0 : i32
        %dma_wait3A_102 = tpu.memref_slice %arg16[%dma_wait3A_100, %dma_wait3A_101] : memref<10000x128xf32, #tpu.memory_space<vmem_shared>> -> memref<10000x128xf32, #tpu.memory_space<vmem_shared>>
        tpu.wait_indirect_dma semaphore(%run_scoped3A : memref<!tpu.dma_semaphore, #tpu.memory_space<semaphore_mem>>) src(%arg14 : memref<80x128xf32, #tpu.memory_space<vmem>>) dst(%dma_wait3A_102 : memref<10000x128xf32, #tpu.memory_space<vmem_shared>>)
        tpu.yield
      }) : () -> ()
      %add3A_90 = arith.constant 2 : i32
      %add3A_91 = arith.addi %add3A_75, %add3A_90 : i32
      %lt3A_92 = arith.constant 125 : i32
      %lt3A_93 = arith.cmpi slt, %add3A_91, %lt3A_92 : i32
      %convert_element_type3A_94 = arith.extui %lt3A_93 : i1 to i32
      %cond3A_95 = arith.constant 0 : i32
      %cond3A_96 = arith.cmpi ne, %convert_element_type3A_94, %cond3A_95 : i32
      scf.if %cond3A_96 {
        %add3A_97 = arith.constant 160 : i32
        %add3A_98 = arith.addi %multiple_of3A_79, %add3A_97 : i32
        %multiple_of3A_99 = tpu.assume_multiple %add3A_98, 8 : i32
        %dma_start3A_100 = tpu.memref_slice %arg2[%multiple_of3A_99] : memref<320000xi32, #tpu.memory_space<hbm>> -> memref<80xi32, #tpu.memory_space<hbm>>
        %dma_start3A_101 = tpu.memref_slice %arg2[%multiple_of3A_99] : memref<320000xi32, #tpu.memory_space<hbm>> -> memref<80xi32, #tpu.memory_space<hbm>>
        tpu.enqueue_dma source(%dma_start3A_101 : memref<80xi32, #tpu.memory_space<hbm>>) target(%arg10 : memref<80xi32, #tpu.memory_space<vmem>>) target_semaphore(%arg18 : memref<!tpu.dma_semaphore, #tpu.memory_space<semaphore_mem>>)
        %dma_start3A_102 = arith.constant 0 : i32
        %dma_start3A_103 = tpu.memref_slice %arg3[%multiple_of3A_99, %dma_start3A_102] : memref<320000x16xf32, #tpu.memory_space<hbm>> -> memref<80x16xf32, #tpu.memory_space<hbm>>
        %dma_start3A_104 = arith.constant 0 : i32
        %dma_start3A_105 = tpu.memref_slice %arg3[%multiple_of3A_99, %dma_start3A_104] : memref<320000x16xf32, #tpu.memory_space<hbm>> -> memref<80x16xf32, #tpu.memory_space<hbm>>
        tpu.enqueue_dma source(%dma_start3A_105 : memref<80x16xf32, #tpu.memory_space<hbm>>) target(%arg12 : memref<80x16xf32, #tpu.memory_space<vmem>>) target_semaphore(%arg18 : memref<!tpu.dma_semaphore, #tpu.memory_space<semaphore_mem>>)
        %dma_start3A_106 = arith.constant 0 : i32
        %dma_start3A_107 = tpu.memref_slice %arg4[%multiple_of3A_99, %dma_start3A_106] : memref<320000x128xf32, #tpu.memory_space<hbm>> -> memref<80x128xf32, #tpu.memory_space<hbm>>
        %dma_start3A_108 = arith.constant 0 : i32
        %dma_start3A_109 = tpu.memref_slice %arg4[%multiple_of3A_99, %dma_start3A_108] : memref<320000x128xf32, #tpu.memory_space<hbm>> -> memref<80x128xf32, #tpu.memory_space<hbm>>
        tpu.enqueue_dma source(%dma_start3A_109 : memref<80x128xf32, #tpu.memory_space<hbm>>) target(%arg14 : memref<80x128xf32, #tpu.memory_space<vmem>>) target_semaphore(%arg18 : memref<!tpu.dma_semaphore, #tpu.memory_space<semaphore_mem>>)
      } else {
      }
    }
    %scan3A_32 = arith.constant 62 : i32
    %add3A_33 = arith.constant 9920 : i32
    %add3A_34 = arith.addi %mul3A_6, %add3A_33 : i32
    %multiple_of3A = tpu.assume_multiple %add3A_34, 8 : i32
    %dma_wait3A = tpu.memref_slice %arg2[%multiple_of3A] : memref<320000xi32, #tpu.memory_space<hbm>> -> memref<80xi32, #tpu.memory_space<hbm>>
    %dma_wait3A_35 = tpu.memref_slice %arg2[%multiple_of3A] : memref<320000xi32, #tpu.memory_space<hbm>> -> memref<80xi32, #tpu.memory_space<hbm>>
    tpu.wait_dma2 semaphore(%arg17 : memref<!tpu.dma_semaphore, #tpu.memory_space<semaphore_mem>>) src(%dma_wait3A_35 : memref<80xi32, #tpu.memory_space<hbm>>) dst(%arg9 : memref<80xi32, #tpu.memory_space<vmem>>)
    %dma_wait3A_36 = arith.constant 0 : i32
    %dma_wait3A_37 = tpu.memref_slice %arg3[%multiple_of3A, %dma_wait3A_36] : memref<320000x16xf32, #tpu.memory_space<hbm>> -> memref<80x16xf32, #tpu.memory_space<hbm>>
    %dma_wait3A_38 = arith.constant 0 : i32
    %dma_wait3A_39 = tpu.memref_slice %arg3[%multiple_of3A, %dma_wait3A_38] : memref<320000x16xf32, #tpu.memory_space<hbm>> -> memref<80x16xf32, #tpu.memory_space<hbm>>
    tpu.wait_dma2 semaphore(%arg17 : memref<!tpu.dma_semaphore, #tpu.memory_space<semaphore_mem>>) src(%dma_wait3A_39 : memref<80x16xf32, #tpu.memory_space<hbm>>) dst(%arg11 : memref<80x16xf32, #tpu.memory_space<vmem>>)
    %dma_wait3A_40 = arith.constant 0 : i32
    %dma_wait3A_41 = tpu.memref_slice %arg4[%multiple_of3A, %dma_wait3A_40] : memref<320000x128xf32, #tpu.memory_space<hbm>> -> memref<80x128xf32, #tpu.memory_space<hbm>>
    %dma_wait3A_42 = arith.constant 0 : i32
    %dma_wait3A_43 = tpu.memref_slice %arg4[%multiple_of3A, %dma_wait3A_42] : memref<320000x128xf32, #tpu.memory_space<hbm>> -> memref<80x128xf32, #tpu.memory_space<hbm>>
    tpu.wait_dma2 semaphore(%arg17 : memref<!tpu.dma_semaphore, #tpu.memory_space<semaphore_mem>>) src(%dma_wait3A_43 : memref<80x128xf32, #tpu.memory_space<hbm>>) dst(%arg13 : memref<80x128xf32, #tpu.memory_space<vmem>>)
    "tpu.region"() ({
      %run_scoped3A = tpu.sem_alloc : memref<!tpu.dma_semaphore, #tpu.memory_space<semaphore_mem>>
      %dma_start3A_47 = arith.constant 0 : i32
      %dma_start3A_48 = arith.constant 0 : i32
      %dma_start3A_49 = tpu.memref_slice %arg15[%dma_start3A_47, %dma_start3A_48] : memref<10000x16xf32, #tpu.memory_space<vmem_shared>> -> memref<10000x16xf32, #tpu.memory_space<vmem_shared>>
      tpu.enqueue_indirect_dma source(%arg11 : memref<80x16xf32, #tpu.memory_space<vmem>>) target(%dma_start3A_49 : memref<10000x16xf32, #tpu.memory_space<vmem_shared>>) offsets(%arg9 : memref<80xi32, #tpu.memory_space<vmem>>) semaphore(%run_scoped3A : memref<!tpu.dma_semaphore, #tpu.memory_space<semaphore_mem>>) {add = true}
      %dma_wait3A_50 = arith.constant 0 : i32
      %dma_wait3A_51 = arith.constant 0 : i32
      %dma_wait3A_52 = tpu.memref_slice %arg15[%dma_wait3A_50, %dma_wait3A_51] : memref<10000x16xf32, #tpu.memory_space<vmem_shared>> -> memref<10000x16xf32, #tpu.memory_space<vmem_shared>>
      tpu.wait_indirect_dma semaphore(%run_scoped3A : memref<!tpu.dma_semaphore, #tpu.memory_space<semaphore_mem>>) src(%arg11 : memref<80x16xf32, #tpu.memory_space<vmem>>) dst(%dma_wait3A_52 : memref<10000x16xf32, #tpu.memory_space<vmem_shared>>)
      tpu.yield
    }) : () -> ()
    "tpu.region"() ({
      %run_scoped3A = tpu.sem_alloc : memref<!tpu.dma_semaphore, #tpu.memory_space<semaphore_mem>>
      %dma_start3A_47 = arith.constant 0 : i32
      %dma_start3A_48 = arith.constant 0 : i32
      %dma_start3A_49 = tpu.memref_slice %arg16[%dma_start3A_47, %dma_start3A_48] : memref<10000x128xf32, #tpu.memory_space<vmem_shared>> -> memref<10000x128xf32, #tpu.memory_space<vmem_shared>>
      tpu.enqueue_indirect_dma source(%arg13 : memref<80x128xf32, #tpu.memory_space<vmem>>) target(%dma_start3A_49 : memref<10000x128xf32, #tpu.memory_space<vmem_shared>>) offsets(%arg9 : memref<80xi32, #tpu.memory_space<vmem>>) semaphore(%run_scoped3A : memref<!tpu.dma_semaphore, #tpu.memory_space<semaphore_mem>>) {add = true}
      %dma_wait3A_50 = arith.constant 0 : i32
      %dma_wait3A_51 = arith.constant 0 : i32
      %dma_wait3A_52 = tpu.memref_slice %arg16[%dma_wait3A_50, %dma_wait3A_51] : memref<10000x128xf32, #tpu.memory_space<vmem_shared>> -> memref<10000x128xf32, #tpu.memory_space<vmem_shared>>
      tpu.wait_indirect_dma semaphore(%run_scoped3A : memref<!tpu.dma_semaphore, #tpu.memory_space<semaphore_mem>>) src(%arg13 : memref<80x128xf32, #tpu.memory_space<vmem>>) dst(%dma_wait3A_52 : memref<10000x128xf32, #tpu.memory_space<vmem_shared>>)
      tpu.yield
    }) : () -> ()
    %barrier3A_44 = arith.constant 0 : index
    tpu.barrier barrier_id(%barrier3A_44)
    %eq3A = arith.constant 0 : i32
    %eq3A_45 = arith.cmpi eq, %arg1, %eq3A : i32
    %convert_element_type3A = arith.extui %eq3A_45 : i1 to i32
    %cond3A = arith.constant 0 : i32
    %cond3A_46 = arith.cmpi ne, %convert_element_type3A, %cond3A : i32
    scf.if %cond3A_46 {
      "tpu.region"() ({
        %run_scoped3A = tpu.sem_alloc : memref<!tpu.dma_semaphore, #tpu.memory_space<semaphore_mem>>
        %dma_start3A_47 = arith.constant 0 : i32
        %dma_start3A_48 = arith.constant 0 : i32
        %dma_start3A_49 = tpu.memref_slice %arg7[%arg0, %dma_start3A_47, %dma_start3A_48] : memref<2x10000x16xf32, #tpu.memory_space<hbm>> -> memref<1x10000x16xf32, #tpu.memory_space<hbm>>
        %dma_start3A_50 = tpu.memref_squeeze %dma_start3A_49 : memref<1x10000x16xf32, #tpu.memory_space<hbm>> -> memref<10000x16xf32, #tpu.memory_space<hbm>>
        tpu.enqueue_dma source(%arg15 : memref<10000x16xf32, #tpu.memory_space<vmem_shared>>) target(%dma_start3A_50 : memref<10000x16xf32, #tpu.memory_space<hbm>>) target_semaphore(%run_scoped3A : memref<!tpu.dma_semaphore, #tpu.memory_space<semaphore_mem>>)
        %dma_wait3A_51 = arith.constant 0 : i32
        %dma_wait3A_52 = arith.constant 0 : i32
        %dma_wait3A_53 = tpu.memref_slice %arg7[%arg0, %dma_wait3A_51, %dma_wait3A_52] : memref<2x10000x16xf32, #tpu.memory_space<hbm>> -> memref<1x10000x16xf32, #tpu.memory_space<hbm>>
        %dma_wait3A_54 = tpu.memref_squeeze %dma_wait3A_53 : memref<1x10000x16xf32, #tpu.memory_space<hbm>> -> memref<10000x16xf32, #tpu.memory_space<hbm>>
        tpu.wait_dma2 semaphore(%run_scoped3A : memref<!tpu.dma_semaphore, #tpu.memory_space<semaphore_mem>>) src(%arg15 : memref<10000x16xf32, #tpu.memory_space<vmem_shared>>) dst(%dma_wait3A_54 : memref<10000x16xf32, #tpu.memory_space<hbm>>)
        tpu.yield
      }) : () -> ()
      "tpu.region"() ({
        %run_scoped3A = tpu.sem_alloc : memref<!tpu.dma_semaphore, #tpu.memory_space<semaphore_mem>>
        %dma_start3A_47 = arith.constant 0 : i32
        %dma_start3A_48 = arith.constant 0 : i32
        %dma_start3A_49 = tpu.memref_slice %arg8[%arg0, %dma_start3A_47, %dma_start3A_48] : memref<2x10000x128xf32, #tpu.memory_space<hbm>> -> memref<1x10000x128xf32, #tpu.memory_space<hbm>>
        %dma_start3A_50 = tpu.memref_squeeze %dma_start3A_49 : memref<1x10000x128xf32, #tpu.memory_space<hbm>> -> memref<10000x128xf32, #tpu.memory_space<hbm>>
        tpu.enqueue_dma source(%arg16 : memref<10000x128xf32, #tpu.memory_space<vmem_shared>>) target(%dma_start3A_50 : memref<10000x128xf32, #tpu.memory_space<hbm>>) target_semaphore(%run_scoped3A : memref<!tpu.dma_semaphore, #tpu.memory_space<semaphore_mem>>)
        %dma_wait3A_51 = arith.constant 0 : i32
        %dma_wait3A_52 = arith.constant 0 : i32
        %dma_wait3A_53 = tpu.memref_slice %arg8[%arg0, %dma_wait3A_51, %dma_wait3A_52] : memref<2x10000x128xf32, #tpu.memory_space<hbm>> -> memref<1x10000x128xf32, #tpu.memory_space<hbm>>
        %dma_wait3A_54 = tpu.memref_squeeze %dma_wait3A_53 : memref<1x10000x128xf32, #tpu.memory_space<hbm>> -> memref<10000x128xf32, #tpu.memory_space<hbm>>
        tpu.wait_dma2 semaphore(%run_scoped3A : memref<!tpu.dma_semaphore, #tpu.memory_space<semaphore_mem>>) src(%arg16 : memref<10000x128xf32, #tpu.memory_space<vmem_shared>>) dst(%dma_wait3A_54 : memref<10000x128xf32, #tpu.memory_space<hbm>>)
        tpu.yield
      }) : () -> ()
    } else {
    }
    return
  }
}

#map = affine_map<(d0, d1) -> (0)>
#map1 = affine_map<(d0, d1) -> (0, 0)>
module attributes {stable_mosaic.version = 14 : i64} {
  func.func @_sc_gather1(%arg0: i32, %arg1: i32, %arg2: memref<320000xi32, #tpu.memory_space<hbm>>, %arg3: memref<320000xi32, #tpu.memory_space<hbm>>, %arg4: memref<10000x16xf32, #tpu.memory_space<hbm>>, %arg5: memref<10000x16xf32, #tpu.memory_space<hbm>>, %arg6: memref<10000x128xf32, #tpu.memory_space<hbm>>, %arg7: memref<320000x16xf32, #tpu.memory_space<hbm>>, %arg8: memref<320000x128xf32, #tpu.memory_space<hbm>>, %arg9: memref<80xi32, #tpu.memory_space<vmem>>, %arg10: memref<80xi32, #tpu.memory_space<vmem>>, %arg11: memref<80xi32, #tpu.memory_space<vmem>>, %arg12: memref<80xi32, #tpu.memory_space<vmem>>, %arg13: memref<80x16xf32, #tpu.memory_space<vmem>>, %arg14: memref<80x16xf32, #tpu.memory_space<vmem>>, %arg15: memref<80x16xf32, #tpu.memory_space<vmem>>, %arg16: memref<80x16xf32, #tpu.memory_space<vmem>>, %arg17: memref<80x128xf32, #tpu.memory_space<vmem>>, %arg18: memref<80x128xf32, #tpu.memory_space<vmem>>, %arg19: memref<!tpu.dma_semaphore, #tpu.memory_space<semaphore_mem>>, %arg20: memref<!tpu.dma_semaphore, #tpu.memory_space<semaphore_mem>>, %arg21: memref<!tpu.dma_semaphore, #tpu.memory_space<semaphore_mem>>, %arg22: memref<!tpu.dma_semaphore, #tpu.memory_space<semaphore_mem>>, %arg23: memref<!tpu.dma_semaphore, #tpu.memory_space<semaphore_mem>>) attributes {dimension_semantics = [#tpu.dimension_semantics<core_parallel>, #tpu.dimension_semantics<subcore_parallel>], iteration_bounds = array<i64: 2, 16>, scalar_prefetch = 0 : i64, scratch_operands = 15 : i64, tpu.core_type = #tpu.core_type<sc_vector_subcore>, window_params = [{transform_indices = #map}, {transform_indices = #map}, {transform_indices = #map1}, {transform_indices = #map1}, {transform_indices = #map1}, {transform_indices = #map1}, {transform_indices = #map1}]} {
    %mul3A = arith.constant 2 : i32
    %mul3A_0 = arith.muli %arg1, %mul3A : i32
    %add3A = arith.addi %mul3A_0, %arg0 : i32
    %mul3A_1 = arith.constant 10000 : i32
    %mul3A_2 = arith.muli %add3A, %mul3A_1 : i32
    "tpu.region"() ({
      %run_scoped3A = tpu.sem_alloc : memref<!tpu.dma_semaphore, #tpu.memory_space<semaphore_mem>>
      %dma_start3A_50 = tpu.memref_slice %arg2[%mul3A_2] : memref<320000xi32, #tpu.memory_space<hbm>> -> memref<80xi32, #tpu.memory_space<hbm>>
      %dma_start3A_51 = tpu.memref_slice %arg2[%mul3A_2] : memref<320000xi32, #tpu.memory_space<hbm>> -> memref<80xi32, #tpu.memory_space<hbm>>
      tpu.enqueue_dma source(%dma_start3A_51 : memref<80xi32, #tpu.memory_space<hbm>>) target(%arg9 : memref<80xi32, #tpu.memory_space<vmem>>) target_semaphore(%run_scoped3A : memref<!tpu.dma_semaphore, #tpu.memory_space<semaphore_mem>>)
      %dma_wait3A_52 = tpu.memref_slice %arg2[%mul3A_2] : memref<320000xi32, #tpu.memory_space<hbm>> -> memref<80xi32, #tpu.memory_space<hbm>>
      %dma_wait3A_53 = tpu.memref_slice %arg2[%mul3A_2] : memref<320000xi32, #tpu.memory_space<hbm>> -> memref<80xi32, #tpu.memory_space<hbm>>
      tpu.wait_dma2 semaphore(%run_scoped3A : memref<!tpu.dma_semaphore, #tpu.memory_space<semaphore_mem>>) src(%dma_wait3A_53 : memref<80xi32, #tpu.memory_space<hbm>>) dst(%arg9 : memref<80xi32, #tpu.memory_space<vmem>>)
      tpu.yield
    }) : () -> ()
    "tpu.region"() ({
      %run_scoped3A = tpu.sem_alloc : memref<!tpu.dma_semaphore, #tpu.memory_space<semaphore_mem>>
      %dma_start3A_50 = tpu.memref_slice %arg3[%mul3A_2] : memref<320000xi32, #tpu.memory_space<hbm>> -> memref<80xi32, #tpu.memory_space<hbm>>
      %dma_start3A_51 = tpu.memref_slice %arg3[%mul3A_2] : memref<320000xi32, #tpu.memory_space<hbm>> -> memref<80xi32, #tpu.memory_space<hbm>>
      tpu.enqueue_dma source(%dma_start3A_51 : memref<80xi32, #tpu.memory_space<hbm>>) target(%arg11 : memref<80xi32, #tpu.memory_space<vmem>>) target_semaphore(%run_scoped3A : memref<!tpu.dma_semaphore, #tpu.memory_space<semaphore_mem>>)
      %dma_wait3A_52 = tpu.memref_slice %arg3[%mul3A_2] : memref<320000xi32, #tpu.memory_space<hbm>> -> memref<80xi32, #tpu.memory_space<hbm>>
      %dma_wait3A_53 = tpu.memref_slice %arg3[%mul3A_2] : memref<320000xi32, #tpu.memory_space<hbm>> -> memref<80xi32, #tpu.memory_space<hbm>>
      tpu.wait_dma2 semaphore(%run_scoped3A : memref<!tpu.dma_semaphore, #tpu.memory_space<semaphore_mem>>) src(%dma_wait3A_53 : memref<80xi32, #tpu.memory_space<hbm>>) dst(%arg11 : memref<80xi32, #tpu.memory_space<vmem>>)
      tpu.yield
    }) : () -> ()
    %dma_start3A = arith.constant 0 : i32
    %dma_start3A_3 = arith.constant 0 : i32
    %dma_start3A_4 = tpu.memref_slice %arg4[%dma_start3A, %dma_start3A_3] : memref<10000x16xf32, #tpu.memory_space<hbm>> -> memref<10000x16xf32, #tpu.memory_space<hbm>>
    tpu.enqueue_indirect_dma source(%dma_start3A_4 : memref<10000x16xf32, #tpu.memory_space<hbm>>) target(%arg13 : memref<80x16xf32, #tpu.memory_space<vmem>>) offsets(%arg9 : memref<80xi32, #tpu.memory_space<vmem>>) semaphore(%arg20 : memref<!tpu.dma_semaphore, #tpu.memory_space<semaphore_mem>>)
    %dma_start3A_5 = arith.constant 0 : i32
    %dma_start3A_6 = arith.constant 0 : i32
    %dma_start3A_7 = tpu.memref_slice %arg5[%dma_start3A_5, %dma_start3A_6] : memref<10000x16xf32, #tpu.memory_space<hbm>> -> memref<10000x16xf32, #tpu.memory_space<hbm>>
    tpu.enqueue_indirect_dma source(%dma_start3A_7 : memref<10000x16xf32, #tpu.memory_space<hbm>>) target(%arg15 : memref<80x16xf32, #tpu.memory_space<vmem>>) offsets(%arg11 : memref<80xi32, #tpu.memory_space<vmem>>) semaphore(%arg20 : memref<!tpu.dma_semaphore, #tpu.memory_space<semaphore_mem>>)
    %dma_start3A_8 = arith.constant 0 : i32
    %dma_start3A_9 = arith.constant 0 : i32
    %dma_start3A_10 = tpu.memref_slice %arg6[%dma_start3A_8, %dma_start3A_9] : memref<10000x128xf32, #tpu.memory_space<hbm>> -> memref<10000x128xf32, #tpu.memory_space<hbm>>
    tpu.enqueue_indirect_dma source(%dma_start3A_10 : memref<10000x128xf32, #tpu.memory_space<hbm>>) target(%arg17 : memref<80x128xf32, #tpu.memory_space<vmem>>) offsets(%arg9 : memref<80xi32, #tpu.memory_space<vmem>>) semaphore(%arg20 : memref<!tpu.dma_semaphore, #tpu.memory_space<semaphore_mem>>)
    %add3A_11 = arith.constant 80 : i32
    %add3A_12 = arith.addi %mul3A_2, %add3A_11 : i32
    %dma_start3A_13 = tpu.memref_slice %arg2[%add3A_12] : memref<320000xi32, #tpu.memory_space<hbm>> -> memref<80xi32, #tpu.memory_space<hbm>>
    %dma_start3A_14 = tpu.memref_slice %arg2[%add3A_12] : memref<320000xi32, #tpu.memory_space<hbm>> -> memref<80xi32, #tpu.memory_space<hbm>>
    tpu.enqueue_dma source(%dma_start3A_14 : memref<80xi32, #tpu.memory_space<hbm>>) target(%arg10 : memref<80xi32, #tpu.memory_space<vmem>>) target_semaphore(%arg19 : memref<!tpu.dma_semaphore, #tpu.memory_space<semaphore_mem>>)
    %add3A_15 = arith.constant 80 : i32
    %add3A_16 = arith.addi %mul3A_2, %add3A_15 : i32
    %dma_start3A_17 = tpu.memref_slice %arg3[%add3A_16] : memref<320000xi32, #tpu.memory_space<hbm>> -> memref<80xi32, #tpu.memory_space<hbm>>
    %dma_start3A_18 = tpu.memref_slice %arg3[%add3A_16] : memref<320000xi32, #tpu.memory_space<hbm>> -> memref<80xi32, #tpu.memory_space<hbm>>
    tpu.enqueue_dma source(%dma_start3A_18 : memref<80xi32, #tpu.memory_space<hbm>>) target(%arg12 : memref<80xi32, #tpu.memory_space<vmem>>) target_semaphore(%arg19 : memref<!tpu.dma_semaphore, #tpu.memory_space<semaphore_mem>>)
    %scan3A = arith.constant 0 : i32
    %scan3A_19 = arith.constant 0 : i32
    %scan3A_20 = arith.constant 62 : i32
    %scan3A_21 = arith.addi %scan3A_19, %scan3A_20 : i32
    %scan3A_22 = arith.constant 1 : i32
    scf.for %scan3A_50 = %scan3A_19 to %scan3A_21 step %scan3A_22  : i32 {
      %mul3A_51 = arith.constant 2 : i32
      %mul3A_52 = arith.muli %mul3A_51, %scan3A_50 : i32
      %add3A_53 = arith.constant 1 : i32
      %add3A_54 = arith.addi %add3A_53, %mul3A_52 : i32
      %add3A_55 = arith.constant 0 : i32
      %add3A_56 = arith.addi %add3A_54, %add3A_55 : i32
      %mul3A_57 = arith.constant 80 : i32
      %mul3A_58 = arith.muli %add3A_56, %mul3A_57 : i32
      %add3A_59 = arith.addi %mul3A_2, %mul3A_58 : i32
      %multiple_of3A_60 = tpu.assume_multiple %add3A_59, 8 : i32
      %dma_wait3A_61 = tpu.memref_slice %arg2[%multiple_of3A_60] : memref<320000xi32, #tpu.memory_space<hbm>> -> memref<80xi32, #tpu.memory_space<hbm>>
      %dma_wait3A_62 = tpu.memref_slice %arg2[%multiple_of3A_60] : memref<320000xi32, #tpu.memory_space<hbm>> -> memref<80xi32, #tpu.memory_space<hbm>>
      tpu.wait_dma2 semaphore(%arg19 : memref<!tpu.dma_semaphore, #tpu.memory_space<semaphore_mem>>) src(%dma_wait3A_62 : memref<80xi32, #tpu.memory_space<hbm>>) dst(%arg10 : memref<80xi32, #tpu.memory_space<vmem>>)
      %dma_wait3A_63 = tpu.memref_slice %arg3[%multiple_of3A_60] : memref<320000xi32, #tpu.memory_space<hbm>> -> memref<80xi32, #tpu.memory_space<hbm>>
      %dma_wait3A_64 = tpu.memref_slice %arg3[%multiple_of3A_60] : memref<320000xi32, #tpu.memory_space<hbm>> -> memref<80xi32, #tpu.memory_space<hbm>>
      tpu.wait_dma2 semaphore(%arg19 : memref<!tpu.dma_semaphore, #tpu.memory_space<semaphore_mem>>) src(%dma_wait3A_64 : memref<80xi32, #tpu.memory_space<hbm>>) dst(%arg12 : memref<80xi32, #tpu.memory_space<vmem>>)
      %ge3A = arith.constant 2 : i32
      %ge3A_65 = arith.cmpi sge, %add3A_56, %ge3A : i32
      %convert_element_type3A = arith.extui %ge3A_65 : i1 to i32
      %cond3A = arith.constant 0 : i32
      %cond3A_66 = arith.cmpi ne, %convert_element_type3A, %cond3A : i32
      scf.if %cond3A_66 {
        %sub3A_169 = arith.constant 160 : i32
        %sub3A_170 = arith.subi %multiple_of3A_60, %sub3A_169 : i32
        %multiple_of3A_171 = tpu.assume_multiple %sub3A_170, 8 : i32
        %dma_wait3A_172 = arith.constant 0 : i32
        %dma_wait3A_173 = tpu.memref_slice %arg7[%multiple_of3A_171, %dma_wait3A_172] : memref<320000x16xf32, #tpu.memory_space<hbm>> -> memref<80x16xf32, #tpu.memory_space<hbm>>
        %dma_wait3A_174 = arith.constant 0 : i32
        %dma_wait3A_175 = tpu.memref_slice %arg7[%multiple_of3A_171, %dma_wait3A_174] : memref<320000x16xf32, #tpu.memory_space<hbm>> -> memref<80x16xf32, #tpu.memory_space<hbm>>
        tpu.wait_dma2 semaphore(%arg23 : memref<!tpu.dma_semaphore, #tpu.memory_space<semaphore_mem>>) src(%arg14 : memref<80x16xf32, #tpu.memory_space<vmem>>) dst(%dma_wait3A_175 : memref<80x16xf32, #tpu.memory_space<hbm>>)
        %dma_wait3A_176 = arith.constant 0 : i32
        %dma_wait3A_177 = tpu.memref_slice %arg8[%multiple_of3A_171, %dma_wait3A_176] : memref<320000x128xf32, #tpu.memory_space<hbm>> -> memref<80x128xf32, #tpu.memory_space<hbm>>
        %dma_wait3A_178 = arith.constant 0 : i32
        %dma_wait3A_179 = tpu.memref_slice %arg8[%multiple_of3A_171, %dma_wait3A_178] : memref<320000x128xf32, #tpu.memory_space<hbm>> -> memref<80x128xf32, #tpu.memory_space<hbm>>
        tpu.wait_dma2 semaphore(%arg23 : memref<!tpu.dma_semaphore, #tpu.memory_space<semaphore_mem>>) src(%arg18 : memref<80x128xf32, #tpu.memory_space<vmem>>) dst(%dma_wait3A_179 : memref<80x128xf32, #tpu.memory_space<hbm>>)
      } else {
      }
      %dma_start3A_67 = arith.constant 0 : i32
      %dma_start3A_68 = arith.constant 0 : i32
      %dma_start3A_69 = tpu.memref_slice %arg4[%dma_start3A_67, %dma_start3A_68] : memref<10000x16xf32, #tpu.memory_space<hbm>> -> memref<10000x16xf32, #tpu.memory_space<hbm>>
      tpu.enqueue_indirect_dma source(%dma_start3A_69 : memref<10000x16xf32, #tpu.memory_space<hbm>>) target(%arg14 : memref<80x16xf32, #tpu.memory_space<vmem>>) offsets(%arg10 : memref<80xi32, #tpu.memory_space<vmem>>) semaphore(%arg21 : memref<!tpu.dma_semaphore, #tpu.memory_space<semaphore_mem>>)
      %dma_start3A_70 = arith.constant 0 : i32
      %dma_start3A_71 = arith.constant 0 : i32
      %dma_start3A_72 = tpu.memref_slice %arg5[%dma_start3A_70, %dma_start3A_71] : memref<10000x16xf32, #tpu.memory_space<hbm>> -> memref<10000x16xf32, #tpu.memory_space<hbm>>
      tpu.enqueue_indirect_dma source(%dma_start3A_72 : memref<10000x16xf32, #tpu.memory_space<hbm>>) target(%arg16 : memref<80x16xf32, #tpu.memory_space<vmem>>) offsets(%arg12 : memref<80xi32, #tpu.memory_space<vmem>>) semaphore(%arg21 : memref<!tpu.dma_semaphore, #tpu.memory_space<semaphore_mem>>)
      %dma_start3A_73 = arith.constant 0 : i32
      %dma_start3A_74 = arith.constant 0 : i32
      %dma_start3A_75 = tpu.memref_slice %arg6[%dma_start3A_73, %dma_start3A_74] : memref<10000x128xf32, #tpu.memory_space<hbm>> -> memref<10000x128xf32, #tpu.memory_space<hbm>>
      tpu.enqueue_indirect_dma source(%dma_start3A_75 : memref<10000x128xf32, #tpu.memory_space<hbm>>) target(%arg18 : memref<80x128xf32, #tpu.memory_space<vmem>>) offsets(%arg10 : memref<80xi32, #tpu.memory_space<vmem>>) semaphore(%arg21 : memref<!tpu.dma_semaphore, #tpu.memory_space<semaphore_mem>>)
      %dma_wait3A_76 = arith.constant 0 : i32
      %dma_wait3A_77 = arith.constant 0 : i32
      %dma_wait3A_78 = tpu.memref_slice %arg4[%dma_wait3A_76, %dma_wait3A_77] : memref<10000x16xf32, #tpu.memory_space<hbm>> -> memref<10000x16xf32, #tpu.memory_space<hbm>>
      tpu.wait_indirect_dma semaphore(%arg20 : memref<!tpu.dma_semaphore, #tpu.memory_space<semaphore_mem>>) src(%dma_wait3A_78 : memref<10000x16xf32, #tpu.memory_space<hbm>>) dst(%arg13 : memref<80x16xf32, #tpu.memory_space<vmem>>)
      %dma_wait3A_79 = arith.constant 0 : i32
      %dma_wait3A_80 = arith.constant 0 : i32
      %dma_wait3A_81 = tpu.memref_slice %arg5[%dma_wait3A_79, %dma_wait3A_80] : memref<10000x16xf32, #tpu.memory_space<hbm>> -> memref<10000x16xf32, #tpu.memory_space<hbm>>
      tpu.wait_indirect_dma semaphore(%arg20 : memref<!tpu.dma_semaphore, #tpu.memory_space<semaphore_mem>>) src(%dma_wait3A_81 : memref<10000x16xf32, #tpu.memory_space<hbm>>) dst(%arg15 : memref<80x16xf32, #tpu.memory_space<vmem>>)
      %dma_wait3A_82 = arith.constant 0 : i32
      %dma_wait3A_83 = arith.constant 0 : i32
      %dma_wait3A_84 = tpu.memref_slice %arg6[%dma_wait3A_82, %dma_wait3A_83] : memref<10000x128xf32, #tpu.memory_space<hbm>> -> memref<10000x128xf32, #tpu.memory_space<hbm>>
      tpu.wait_indirect_dma semaphore(%arg20 : memref<!tpu.dma_semaphore, #tpu.memory_space<semaphore_mem>>) src(%dma_wait3A_84 : memref<10000x128xf32, #tpu.memory_space<hbm>>) dst(%arg17 : memref<80x128xf32, #tpu.memory_space<vmem>>)
      %scan3A_85 = arith.constant 0 : i32
      %scan3A_86 = arith.constant 0 : i32
      %scan3A_87 = arith.constant 80 : i32
      %scan3A_88 = arith.addi %scan3A_86, %scan3A_87 : i32
      %scan3A_89 = arith.constant 1 : i32
      scf.for %scan3A_169 = %scan3A_86 to %scan3A_88 step %scan3A_89  : i32 {
        %get3A = arith.index_cast %scan3A_169 : i32 to index
        %get3A_170 = arith.constant 0 : index
        %get3A_171 = tpu.vector_load %arg13[%get3A, %get3A_170] {strides = array<i32>} : memref<80x16xf32, #tpu.memory_space<vmem>>, vector<1x16xf32>,
        %get3A_172 = vector.shape_cast %get3A_171 : vector<1x16xf32> to vector<16xf32>
        %get3A_173 = arith.index_cast %scan3A_169 : i32 to index
        %get3A_174 = arith.constant 0 : index
        %get3A_175 = tpu.vector_load %arg15[%get3A_173, %get3A_174] {strides = array<i32>} : memref<80x16xf32, #tpu.memory_space<vmem>>, vector<1x16xf32>,
        %get3A_176 = vector.shape_cast %get3A_175 : vector<1x16xf32> to vector<16xf32>
        %add3A_177 = arith.addf %get3A_172, %get3A_176 : vector<16xf32>
        %swap3A = arith.index_cast %scan3A_169 : i32 to index
        %swap3A_178 = arith.constant 0 : index
        %swap3A_179 = tpu.vector_load %arg13[%swap3A, %swap3A_178] {strides = array<i32>} : memref<80x16xf32, #tpu.memory_space<vmem>>, vector<1x16xf32>,
        %swap3A_180 = vector.shape_cast %swap3A_179 : vector<1x16xf32> to vector<16xf32>
        %swap3A_181 = vector.shape_cast %add3A_177 : vector<16xf32> to vector<1x16xf32>
        tpu.vector_store %arg13[%swap3A, %swap3A_178], %swap3A_181 {strides = array<i32>} : memref<80x16xf32, #tpu.memory_space<vmem>>, vector<1x16xf32>,
      }
      %scan3A_90 = arith.constant 80 : i32
      %sub3A_91 = arith.constant 80 : i32
      %sub3A_92 = arith.subi %multiple_of3A_60, %sub3A_91 : i32
      %multiple_of3A_93 = tpu.assume_multiple %sub3A_92, 8 : i32
      %dma_start3A_94 = arith.constant 0 : i32
      %dma_start3A_95 = tpu.memref_slice %arg7[%multiple_of3A_93, %dma_start3A_94] : memref<320000x16xf32, #tpu.memory_space<hbm>> -> memref<80x16xf32, #tpu.memory_space<hbm>>
      %dma_start3A_96 = arith.constant 0 : i32
      %dma_start3A_97 = tpu.memref_slice %arg7[%multiple_of3A_93, %dma_start3A_96] : memref<320000x16xf32, #tpu.memory_space<hbm>> -> memref<80x16xf32, #tpu.memory_space<hbm>>
      tpu.enqueue_dma source(%arg13 : memref<80x16xf32, #tpu.memory_space<vmem>>) target(%dma_start3A_97 : memref<80x16xf32, #tpu.memory_space<hbm>>) target_semaphore(%arg22 : memref<!tpu.dma_semaphore, #tpu.memory_space<semaphore_mem>>)
      %dma_start3A_98 = arith.constant 0 : i32
      %dma_start3A_99 = tpu.memref_slice %arg8[%multiple_of3A_93, %dma_start3A_98] : memref<320000x128xf32, #tpu.memory_space<hbm>> -> memref<80x128xf32, #tpu.memory_space<hbm>>
      %dma_start3A_100 = arith.constant 0 : i32
      %dma_start3A_101 = tpu.memref_slice %arg8[%multiple_of3A_93, %dma_start3A_100] : memref<320000x128xf32, #tpu.memory_space<hbm>> -> memref<80x128xf32, #tpu.memory_space<hbm>>
      tpu.enqueue_dma source(%arg17 : memref<80x128xf32, #tpu.memory_space<vmem>>) target(%dma_start3A_101 : memref<80x128xf32, #tpu.memory_space<hbm>>) target_semaphore(%arg22 : memref<!tpu.dma_semaphore, #tpu.memory_space<semaphore_mem>>)
      %add3A_102 = arith.constant 1 : i32
      %add3A_103 = arith.addi %add3A_56, %add3A_102 : i32
      %lt3A = arith.constant 125 : i32
      %lt3A_104 = arith.cmpi slt, %add3A_103, %lt3A : i32
      %convert_element_type3A_105 = arith.extui %lt3A_104 : i1 to i32
      %cond3A_106 = arith.constant 0 : i32
      %cond3A_107 = arith.cmpi ne, %convert_element_type3A_105, %cond3A_106 : i32
      scf.if %cond3A_107 {
        %add3A_169 = arith.constant 80 : i32
        %add3A_170 = arith.addi %multiple_of3A_60, %add3A_169 : i32
        %multiple_of3A_171 = tpu.assume_multiple %add3A_170, 8 : i32
        %dma_start3A_172 = tpu.memref_slice %arg2[%multiple_of3A_171] : memref<320000xi32, #tpu.memory_space<hbm>> -> memref<80xi32, #tpu.memory_space<hbm>>
        %dma_start3A_173 = tpu.memref_slice %arg2[%multiple_of3A_171] : memref<320000xi32, #tpu.memory_space<hbm>> -> memref<80xi32, #tpu.memory_space<hbm>>
        tpu.enqueue_dma source(%dma_start3A_173 : memref<80xi32, #tpu.memory_space<hbm>>) target(%arg9 : memref<80xi32, #tpu.memory_space<vmem>>) target_semaphore(%arg19 : memref<!tpu.dma_semaphore, #tpu.memory_space<semaphore_mem>>)
        %dma_start3A_174 = tpu.memref_slice %arg3[%multiple_of3A_171] : memref<320000xi32, #tpu.memory_space<hbm>> -> memref<80xi32, #tpu.memory_space<hbm>>
        %dma_start3A_175 = tpu.memref_slice %arg3[%multiple_of3A_171] : memref<320000xi32, #tpu.memory_space<hbm>> -> memref<80xi32, #tpu.memory_space<hbm>>
        tpu.enqueue_dma source(%dma_start3A_175 : memref<80xi32, #tpu.memory_space<hbm>>) target(%arg11 : memref<80xi32, #tpu.memory_space<vmem>>) target_semaphore(%arg19 : memref<!tpu.dma_semaphore, #tpu.memory_space<semaphore_mem>>)
      } else {
      }
      %mul3A_108 = arith.constant 2 : i32
      %mul3A_109 = arith.muli %mul3A_108, %scan3A_50 : i32
      %add3A_110 = arith.constant 1 : i32
      %add3A_111 = arith.addi %add3A_110, %mul3A_109 : i32
      %add3A_112 = arith.constant 1 : i32
      %add3A_113 = arith.addi %add3A_111, %add3A_112 : i32
      %mul3A_114 = arith.constant 80 : i32
      %mul3A_115 = arith.muli %add3A_113, %mul3A_114 : i32
      %add3A_116 = arith.addi %mul3A_2, %mul3A_115 : i32
      %multiple_of3A_117 = tpu.assume_multiple %add3A_116, 8 : i32
      %dma_wait3A_118 = tpu.memref_slice %arg2[%multiple_of3A_117] : memref<320000xi32, #tpu.memory_space<hbm>> -> memref<80xi32, #tpu.memory_space<hbm>>
      %dma_wait3A_119 = tpu.memref_slice %arg2[%multiple_of3A_117] : memref<320000xi32, #tpu.memory_space<hbm>> -> memref<80xi32, #tpu.memory_space<hbm>>
      tpu.wait_dma2 semaphore(%arg19 : memref<!tpu.dma_semaphore, #tpu.memory_space<semaphore_mem>>) src(%dma_wait3A_119 : memref<80xi32, #tpu.memory_space<hbm>>) dst(%arg9 : memref<80xi32, #tpu.memory_space<vmem>>)
      %dma_wait3A_120 = tpu.memref_slice %arg3[%multiple_of3A_117] : memref<320000xi32, #tpu.memory_space<hbm>> -> memref<80xi32, #tpu.memory_space<hbm>>
      %dma_wait3A_121 = tpu.memref_slice %arg3[%multiple_of3A_117] : memref<320000xi32, #tpu.memory_space<hbm>> -> memref<80xi32, #tpu.memory_space<hbm>>
      tpu.wait_dma2 semaphore(%arg19 : memref<!tpu.dma_semaphore, #tpu.memory_space<semaphore_mem>>) src(%dma_wait3A_121 : memref<80xi32, #tpu.memory_space<hbm>>) dst(%arg11 : memref<80xi32, #tpu.memory_space<vmem>>)
      %ge3A_122 = arith.constant 2 : i32
      %ge3A_123 = arith.cmpi sge, %add3A_113, %ge3A_122 : i32
      %convert_element_type3A_124 = arith.extui %ge3A_123 : i1 to i32
      %cond3A_125 = arith.constant 0 : i32
      %cond3A_126 = arith.cmpi ne, %convert_element_type3A_124, %cond3A_125 : i32
      scf.if %cond3A_126 {
        %sub3A_169 = arith.constant 160 : i32
        %sub3A_170 = arith.subi %multiple_of3A_117, %sub3A_169 : i32
        %multiple_of3A_171 = tpu.assume_multiple %sub3A_170, 8 : i32
        %dma_wait3A_172 = arith.constant 0 : i32
        %dma_wait3A_173 = tpu.memref_slice %arg7[%multiple_of3A_171, %dma_wait3A_172] : memref<320000x16xf32, #tpu.memory_space<hbm>> -> memref<80x16xf32, #tpu.memory_space<hbm>>
        %dma_wait3A_174 = arith.constant 0 : i32
        %dma_wait3A_175 = tpu.memref_slice %arg7[%multiple_of3A_171, %dma_wait3A_174] : memref<320000x16xf32, #tpu.memory_space<hbm>> -> memref<80x16xf32, #tpu.memory_space<hbm>>
        tpu.wait_dma2 semaphore(%arg22 : memref<!tpu.dma_semaphore, #tpu.memory_space<semaphore_mem>>) src(%arg13 : memref<80x16xf32, #tpu.memory_space<vmem>>) dst(%dma_wait3A_175 : memref<80x16xf32, #tpu.memory_space<hbm>>)
        %dma_wait3A_176 = arith.constant 0 : i32
        %dma_wait3A_177 = tpu.memref_slice %arg8[%multiple_of3A_171, %dma_wait3A_176] : memref<320000x128xf32, #tpu.memory_space<hbm>> -> memref<80x128xf32, #tpu.memory_space<hbm>>
        %dma_wait3A_178 = arith.constant 0 : i32
        %dma_wait3A_179 = tpu.memref_slice %arg8[%multiple_of3A_171, %dma_wait3A_178] : memref<320000x128xf32, #tpu.memory_space<hbm>> -> memref<80x128xf32, #tpu.memory_space<hbm>>
        tpu.wait_dma2 semaphore(%arg22 : memref<!tpu.dma_semaphore, #tpu.memory_space<semaphore_mem>>) src(%arg17 : memref<80x128xf32, #tpu.memory_space<vmem>>) dst(%dma_wait3A_179 : memref<80x128xf32, #tpu.memory_space<hbm>>)
      } else {
      }
      %dma_start3A_127 = arith.constant 0 : i32
      %dma_start3A_128 = arith.constant 0 : i32
      %dma_start3A_129 = tpu.memref_slice %arg4[%dma_start3A_127, %dma_start3A_128] : memref<10000x16xf32, #tpu.memory_space<hbm>> -> memref<10000x16xf32, #tpu.memory_space<hbm>>
      tpu.enqueue_indirect_dma source(%dma_start3A_129 : memref<10000x16xf32, #tpu.memory_space<hbm>>) target(%arg13 : memref<80x16xf32, #tpu.memory_space<vmem>>) offsets(%arg9 : memref<80xi32, #tpu.memory_space<vmem>>) semaphore(%arg20 : memref<!tpu.dma_semaphore, #tpu.memory_space<semaphore_mem>>)
      %dma_start3A_130 = arith.constant 0 : i32
      %dma_start3A_131 = arith.constant 0 : i32
      %dma_start3A_132 = tpu.memref_slice %arg5[%dma_start3A_130, %dma_start3A_131] : memref<10000x16xf32, #tpu.memory_space<hbm>> -> memref<10000x16xf32, #tpu.memory_space<hbm>>
      tpu.enqueue_indirect_dma source(%dma_start3A_132 : memref<10000x16xf32, #tpu.memory_space<hbm>>) target(%arg15 : memref<80x16xf32, #tpu.memory_space<vmem>>) offsets(%arg11 : memref<80xi32, #tpu.memory_space<vmem>>) semaphore(%arg20 : memref<!tpu.dma_semaphore, #tpu.memory_space<semaphore_mem>>)
      %dma_start3A_133 = arith.constant 0 : i32
      %dma_start3A_134 = arith.constant 0 : i32
      %dma_start3A_135 = tpu.memref_slice %arg6[%dma_start3A_133, %dma_start3A_134] : memref<10000x128xf32, #tpu.memory_space<hbm>> -> memref<10000x128xf32, #tpu.memory_space<hbm>>
      tpu.enqueue_indirect_dma source(%dma_start3A_135 : memref<10000x128xf32, #tpu.memory_space<hbm>>) target(%arg17 : memref<80x128xf32, #tpu.memory_space<vmem>>) offsets(%arg9 : memref<80xi32, #tpu.memory_space<vmem>>) semaphore(%arg20 : memref<!tpu.dma_semaphore, #tpu.memory_space<semaphore_mem>>)
      %dma_wait3A_136 = arith.constant 0 : i32
      %dma_wait3A_137 = arith.constant 0 : i32
      %dma_wait3A_138 = tpu.memref_slice %arg4[%dma_wait3A_136, %dma_wait3A_137] : memref<10000x16xf32, #tpu.memory_space<hbm>> -> memref<10000x16xf32, #tpu.memory_space<hbm>>
      tpu.wait_indirect_dma semaphore(%arg21 : memref<!tpu.dma_semaphore, #tpu.memory_space<semaphore_mem>>) src(%dma_wait3A_138 : memref<10000x16xf32, #tpu.memory_space<hbm>>) dst(%arg14 : memref<80x16xf32, #tpu.memory_space<vmem>>)
      %dma_wait3A_139 = arith.constant 0 : i32
      %dma_wait3A_140 = arith.constant 0 : i32
      %dma_wait3A_141 = tpu.memref_slice %arg5[%dma_wait3A_139, %dma_wait3A_140] : memref<10000x16xf32, #tpu.memory_space<hbm>> -> memref<10000x16xf32, #tpu.memory_space<hbm>>
      tpu.wait_indirect_dma semaphore(%arg21 : memref<!tpu.dma_semaphore, #tpu.memory_space<semaphore_mem>>) src(%dma_wait3A_141 : memref<10000x16xf32, #tpu.memory_space<hbm>>) dst(%arg16 : memref<80x16xf32, #tpu.memory_space<vmem>>)
      %dma_wait3A_142 = arith.constant 0 : i32
      %dma_wait3A_143 = arith.constant 0 : i32
      %dma_wait3A_144 = tpu.memref_slice %arg6[%dma_wait3A_142, %dma_wait3A_143] : memref<10000x128xf32, #tpu.memory_space<hbm>> -> memref<10000x128xf32, #tpu.memory_space<hbm>>
      tpu.wait_indirect_dma semaphore(%arg21 : memref<!tpu.dma_semaphore, #tpu.memory_space<semaphore_mem>>) src(%dma_wait3A_144 : memref<10000x128xf32, #tpu.memory_space<hbm>>) dst(%arg18 : memref<80x128xf32, #tpu.memory_space<vmem>>)
      %scan3A_145 = arith.constant 0 : i32
      %scan3A_146 = arith.constant 0 : i32
      %scan3A_147 = arith.constant 80 : i32
      %scan3A_148 = arith.addi %scan3A_146, %scan3A_147 : i32
      %scan3A_149 = arith.constant 1 : i32
      scf.for %scan3A_169 = %scan3A_146 to %scan3A_148 step %scan3A_149  : i32 {
        %get3A = arith.index_cast %scan3A_169 : i32 to index
        %get3A_170 = arith.constant 0 : index
        %get3A_171 = tpu.vector_load %arg14[%get3A, %get3A_170] {strides = array<i32>} : memref<80x16xf32, #tpu.memory_space<vmem>>, vector<1x16xf32>,
        %get3A_172 = vector.shape_cast %get3A_171 : vector<1x16xf32> to vector<16xf32>
        %get3A_173 = arith.index_cast %scan3A_169 : i32 to index
        %get3A_174 = arith.constant 0 : index
        %get3A_175 = tpu.vector_load %arg16[%get3A_173, %get3A_174] {strides = array<i32>} : memref<80x16xf32, #tpu.memory_space<vmem>>, vector<1x16xf32>,
        %get3A_176 = vector.shape_cast %get3A_175 : vector<1x16xf32> to vector<16xf32>
        %add3A_177 = arith.addf %get3A_172, %get3A_176 : vector<16xf32>
        %swap3A = arith.index_cast %scan3A_169 : i32 to index
        %swap3A_178 = arith.constant 0 : index
        %swap3A_179 = tpu.vector_load %arg14[%swap3A, %swap3A_178] {strides = array<i32>} : memref<80x16xf32, #tpu.memory_space<vmem>>, vector<1x16xf32>,
        %swap3A_180 = vector.shape_cast %swap3A_179 : vector<1x16xf32> to vector<16xf32>
        %swap3A_181 = vector.shape_cast %add3A_177 : vector<16xf32> to vector<1x16xf32>
        tpu.vector_store %arg14[%swap3A, %swap3A_178], %swap3A_181 {strides = array<i32>} : memref<80x16xf32, #tpu.memory_space<vmem>>, vector<1x16xf32>,
      }
      %scan3A_150 = arith.constant 80 : i32
      %sub3A_151 = arith.constant 80 : i32
      %sub3A_152 = arith.subi %multiple_of3A_117, %sub3A_151 : i32
      %multiple_of3A_153 = tpu.assume_multiple %sub3A_152, 8 : i32
      %dma_start3A_154 = arith.constant 0 : i32
      %dma_start3A_155 = tpu.memref_slice %arg7[%multiple_of3A_153, %dma_start3A_154] : memref<320000x16xf32, #tpu.memory_space<hbm>> -> memref<80x16xf32, #tpu.memory_space<hbm>>
      %dma_start3A_156 = arith.constant 0 : i32
      %dma_start3A_157 = tpu.memref_slice %arg7[%multiple_of3A_153, %dma_start3A_156] : memref<320000x16xf32, #tpu.memory_space<hbm>> -> memref<80x16xf32, #tpu.memory_space<hbm>>
      tpu.enqueue_dma source(%arg14 : memref<80x16xf32, #tpu.memory_space<vmem>>) target(%dma_start3A_157 : memref<80x16xf32, #tpu.memory_space<hbm>>) target_semaphore(%arg23 : memref<!tpu.dma_semaphore, #tpu.memory_space<semaphore_mem>>)
      %dma_start3A_158 = arith.constant 0 : i32
      %dma_start3A_159 = tpu.memref_slice %arg8[%multiple_of3A_153, %dma_start3A_158] : memref<320000x128xf32, #tpu.memory_space<hbm>> -> memref<80x128xf32, #tpu.memory_space<hbm>>
      %dma_start3A_160 = arith.constant 0 : i32
      %dma_start3A_161 = tpu.memref_slice %arg8[%multiple_of3A_153, %dma_start3A_160] : memref<320000x128xf32, #tpu.memory_space<hbm>> -> memref<80x128xf32, #tpu.memory_space<hbm>>
      tpu.enqueue_dma source(%arg18 : memref<80x128xf32, #tpu.memory_space<vmem>>) target(%dma_start3A_161 : memref<80x128xf32, #tpu.memory_space<hbm>>) target_semaphore(%arg23 : memref<!tpu.dma_semaphore, #tpu.memory_space<semaphore_mem>>)
      %add3A_162 = arith.constant 1 : i32
      %add3A_163 = arith.addi %add3A_113, %add3A_162 : i32
      %lt3A_164 = arith.constant 125 : i32
      %lt3A_165 = arith.cmpi slt, %add3A_163, %lt3A_164 : i32
      %convert_element_type3A_166 = arith.extui %lt3A_165 : i1 to i32
      %cond3A_167 = arith.constant 0 : i32
      %cond3A_168 = arith.cmpi ne, %convert_element_type3A_166, %cond3A_167 : i32
      scf.if %cond3A_168 {
        %add3A_169 = arith.constant 80 : i32
        %add3A_170 = arith.addi %multiple_of3A_117, %add3A_169 : i32
        %multiple_of3A_171 = tpu.assume_multiple %add3A_170, 8 : i32
        %dma_start3A_172 = tpu.memref_slice %arg2[%multiple_of3A_171] : memref<320000xi32, #tpu.memory_space<hbm>> -> memref<80xi32, #tpu.memory_space<hbm>>
        %dma_start3A_173 = tpu.memref_slice %arg2[%multiple_of3A_171] : memref<320000xi32, #tpu.memory_space<hbm>> -> memref<80xi32, #tpu.memory_space<hbm>>
        tpu.enqueue_dma source(%dma_start3A_173 : memref<80xi32, #tpu.memory_space<hbm>>) target(%arg10 : memref<80xi32, #tpu.memory_space<vmem>>) target_semaphore(%arg19 : memref<!tpu.dma_semaphore, #tpu.memory_space<semaphore_mem>>)
        %dma_start3A_174 = tpu.memref_slice %arg3[%multiple_of3A_171] : memref<320000xi32, #tpu.memory_space<hbm>> -> memref<80xi32, #tpu.memory_space<hbm>>
        %dma_start3A_175 = tpu.memref_slice %arg3[%multiple_of3A_171] : memref<320000xi32, #tpu.memory_space<hbm>> -> memref<80xi32, #tpu.memory_space<hbm>>
        tpu.enqueue_dma source(%dma_start3A_175 : memref<80xi32, #tpu.memory_space<hbm>>) target(%arg12 : memref<80xi32, #tpu.memory_space<vmem>>) target_semaphore(%arg19 : memref<!tpu.dma_semaphore, #tpu.memory_space<semaphore_mem>>)
      } else {
      }
    }
    %scan3A_23 = arith.constant 62 : i32
    %add3A_24 = arith.constant 9920 : i32
    %add3A_25 = arith.addi %mul3A_2, %add3A_24 : i32
    %multiple_of3A = tpu.assume_multiple %add3A_25, 8 : i32
    %dma_wait3A = arith.constant 0 : i32
    %dma_wait3A_26 = arith.constant 0 : i32
    %dma_wait3A_27 = tpu.memref_slice %arg4[%dma_wait3A, %dma_wait3A_26] : memref<10000x16xf32, #tpu.memory_space<hbm>> -> memref<10000x16xf32, #tpu.memory_space<hbm>>
    tpu.wait_indirect_dma semaphore(%arg20 : memref<!tpu.dma_semaphore, #tpu.memory_space<semaphore_mem>>) src(%dma_wait3A_27 : memref<10000x16xf32, #tpu.memory_space<hbm>>) dst(%arg13 : memref<80x16xf32, #tpu.memory_space<vmem>>)
    %dma_wait3A_28 = arith.constant 0 : i32
    %dma_wait3A_29 = arith.constant 0 : i32
    %dma_wait3A_30 = tpu.memref_slice %arg5[%dma_wait3A_28, %dma_wait3A_29] : memref<10000x16xf32, #tpu.memory_space<hbm>> -> memref<10000x16xf32, #tpu.memory_space<hbm>>
    tpu.wait_indirect_dma semaphore(%arg20 : memref<!tpu.dma_semaphore, #tpu.memory_space<semaphore_mem>>) src(%dma_wait3A_30 : memref<10000x16xf32, #tpu.memory_space<hbm>>) dst(%arg15 : memref<80x16xf32, #tpu.memory_space<vmem>>)
    %dma_wait3A_31 = arith.constant 0 : i32
    %dma_wait3A_32 = arith.constant 0 : i32
    %dma_wait3A_33 = tpu.memref_slice %arg6[%dma_wait3A_31, %dma_wait3A_32] : memref<10000x128xf32, #tpu.memory_space<hbm>> -> memref<10000x128xf32, #tpu.memory_space<hbm>>
    tpu.wait_indirect_dma semaphore(%arg20 : memref<!tpu.dma_semaphore, #tpu.memory_space<semaphore_mem>>) src(%dma_wait3A_33 : memref<10000x128xf32, #tpu.memory_space<hbm>>) dst(%arg17 : memref<80x128xf32, #tpu.memory_space<vmem>>)
    %scan3A_34 = arith.constant 0 : i32
    %scan3A_35 = arith.constant 0 : i32
    %scan3A_36 = arith.constant 80 : i32
    %scan3A_37 = arith.addi %scan3A_35, %scan3A_36 : i32
    %scan3A_38 = arith.constant 1 : i32
    scf.for %scan3A_50 = %scan3A_35 to %scan3A_37 step %scan3A_38  : i32 {
      %get3A = arith.index_cast %scan3A_50 : i32 to index
      %get3A_51 = arith.constant 0 : index
      %get3A_52 = tpu.vector_load %arg13[%get3A, %get3A_51] {strides = array<i32>} : memref<80x16xf32, #tpu.memory_space<vmem>>, vector<1x16xf32>,
      %get3A_53 = vector.shape_cast %get3A_52 : vector<1x16xf32> to vector<16xf32>
      %get3A_54 = arith.index_cast %scan3A_50 : i32 to index
      %get3A_55 = arith.constant 0 : index
      %get3A_56 = tpu.vector_load %arg15[%get3A_54, %get3A_55] {strides = array<i32>} : memref<80x16xf32, #tpu.memory_space<vmem>>, vector<1x16xf32>,
      %get3A_57 = vector.shape_cast %get3A_56 : vector<1x16xf32> to vector<16xf32>
      %add3A_58 = arith.addf %get3A_53, %get3A_57 : vector<16xf32>
      %swap3A = arith.index_cast %scan3A_50 : i32 to index
      %swap3A_59 = arith.constant 0 : index
      %swap3A_60 = tpu.vector_load %arg13[%swap3A, %swap3A_59] {strides = array<i32>} : memref<80x16xf32, #tpu.memory_space<vmem>>, vector<1x16xf32>,
      %swap3A_61 = vector.shape_cast %swap3A_60 : vector<1x16xf32> to vector<16xf32>
      %swap3A_62 = vector.shape_cast %add3A_58 : vector<16xf32> to vector<1x16xf32>
      tpu.vector_store %arg13[%swap3A, %swap3A_59], %swap3A_62 {strides = array<i32>} : memref<80x16xf32, #tpu.memory_space<vmem>>, vector<1x16xf32>,
    }
    %scan3A_39 = arith.constant 80 : i32
    "tpu.region"() ({
      %run_scoped3A = tpu.sem_alloc : memref<!tpu.dma_semaphore, #tpu.memory_space<semaphore_mem>>
      %dma_start3A_50 = arith.constant 0 : i32
      %dma_start3A_51 = tpu.memref_slice %arg7[%multiple_of3A, %dma_start3A_50] : memref<320000x16xf32, #tpu.memory_space<hbm>> -> memref<80x16xf32, #tpu.memory_space<hbm>>
      %dma_start3A_52 = arith.constant 0 : i32
      %dma_start3A_53 = tpu.memref_slice %arg7[%multiple_of3A, %dma_start3A_52] : memref<320000x16xf32, #tpu.memory_space<hbm>> -> memref<80x16xf32, #tpu.memory_space<hbm>>
      tpu.enqueue_dma source(%arg13 : memref<80x16xf32, #tpu.memory_space<vmem>>) target(%dma_start3A_53 : memref<80x16xf32, #tpu.memory_space<hbm>>) target_semaphore(%run_scoped3A : memref<!tpu.dma_semaphore, #tpu.memory_space<semaphore_mem>>)
      %dma_wait3A_54 = arith.constant 0 : i32
      %dma_wait3A_55 = tpu.memref_slice %arg7[%multiple_of3A, %dma_wait3A_54] : memref<320000x16xf32, #tpu.memory_space<hbm>> -> memref<80x16xf32, #tpu.memory_space<hbm>>
      %dma_wait3A_56 = arith.constant 0 : i32
      %dma_wait3A_57 = tpu.memref_slice %arg7[%multiple_of3A, %dma_wait3A_56] : memref<320000x16xf32, #tpu.memory_space<hbm>> -> memref<80x16xf32, #tpu.memory_space<hbm>>
      tpu.wait_dma2 semaphore(%run_scoped3A : memref<!tpu.dma_semaphore, #tpu.memory_space<semaphore_mem>>) src(%arg13 : memref<80x16xf32, #tpu.memory_space<vmem>>) dst(%dma_wait3A_57 : memref<80x16xf32, #tpu.memory_space<hbm>>)
      tpu.yield
    }) : () -> ()
    "tpu.region"() ({
      %run_scoped3A = tpu.sem_alloc : memref<!tpu.dma_semaphore, #tpu.memory_space<semaphore_mem>>
      %dma_start3A_50 = arith.constant 0 : i32
      %dma_start3A_51 = tpu.memref_slice %arg8[%multiple_of3A, %dma_start3A_50] : memref<320000x128xf32, #tpu.memory_space<hbm>> -> memref<80x128xf32, #tpu.memory_space<hbm>>
      %dma_start3A_52 = arith.constant 0 : i32
      %dma_start3A_53 = tpu.memref_slice %arg8[%multiple_of3A, %dma_start3A_52] : memref<320000x128xf32, #tpu.memory_space<hbm>> -> memref<80x128xf32, #tpu.memory_space<hbm>>
      tpu.enqueue_dma source(%arg17 : memref<80x128xf32, #tpu.memory_space<vmem>>) target(%dma_start3A_53 : memref<80x128xf32, #tpu.memory_space<hbm>>) target_semaphore(%run_scoped3A : memref<!tpu.dma_semaphore, #tpu.memory_space<semaphore_mem>>)
      %dma_wait3A_54 = arith.constant 0 : i32
      %dma_wait3A_55 = tpu.memref_slice %arg8[%multiple_of3A, %dma_wait3A_54] : memref<320000x128xf32, #tpu.memory_space<hbm>> -> memref<80x128xf32, #tpu.memory_space<hbm>>
      %dma_wait3A_56 = arith.constant 0 : i32
      %dma_wait3A_57 = tpu.memref_slice %arg8[%multiple_of3A, %dma_wait3A_56] : memref<320000x128xf32, #tpu.memory_space<hbm>> -> memref<80x128xf32, #tpu.memory_space<hbm>>
      tpu.wait_dma2 semaphore(%run_scoped3A : memref<!tpu.dma_semaphore, #tpu.memory_space<semaphore_mem>>) src(%arg17 : memref<80x128xf32, #tpu.memory_space<vmem>>) dst(%dma_wait3A_57 : memref<80x128xf32, #tpu.memory_space<hbm>>)
      tpu.yield
    }) : () -> ()
    %sub3A = arith.constant 80 : i32
    %sub3A_40 = arith.subi %multiple_of3A, %sub3A : i32
    %multiple_of3A_41 = tpu.assume_multiple %sub3A_40, 8 : i32
    %dma_wait3A_42 = arith.constant 0 : i32
    %dma_wait3A_43 = tpu.memref_slice %arg7[%multiple_of3A_41, %dma_wait3A_42] : memref<320000x16xf32, #tpu.memory_space<hbm>> -> memref<80x16xf32, #tpu.memory_space<hbm>>
    %dma_wait3A_44 = arith.constant 0 : i32
    %dma_wait3A_45 = tpu.memref_slice %arg7[%multiple_of3A_41, %dma_wait3A_44] : memref<320000x16xf32, #tpu.memory_space<hbm>> -> memref<80x16xf32, #tpu.memory_space<hbm>>
    tpu.wait_dma2 semaphore(%arg23 : memref<!tpu.dma_semaphore, #tpu.memory_space<semaphore_mem>>) src(%arg14 : memref<80x16xf32, #tpu.memory_space<vmem>>) dst(%dma_wait3A_45 : memref<80x16xf32, #tpu.memory_space<hbm>>)
    %dma_wait3A_46 = arith.constant 0 : i32
    %dma_wait3A_47 = tpu.memref_slice %arg8[%multiple_of3A_41, %dma_wait3A_46] : memref<320000x128xf32, #tpu.memory_space<hbm>> -> memref<80x128xf32, #tpu.memory_space<hbm>>
    %dma_wait3A_48 = arith.constant 0 : i32
    %dma_wait3A_49 = tpu.memref_slice %arg8[%multiple_of3A_41, %dma_wait3A_48] : memref<320000x128xf32, #tpu.memory_space<hbm>> -> memref<80x128xf32, #tpu.memory_space<hbm>>
    tpu.wait_dma2 semaphore(%arg23 : memref<!tpu.dma_semaphore, #tpu.memory_space<semaphore_mem>>) src(%arg18 : memref<80x128xf32, #tpu.memory_space<vmem>>) dst(%dma_wait3A_49 : memref<80x128xf32, #tpu.memory_space<hbm>>)
    return
  }
}

module attributes {stable_mosaic.version = 14 : i64} {
  func.func @_tca_body(%arg0: i32, %arg1: memref<1000x128xf32, #tpu.memory_space<vmem>>, %arg2: memref<1000x1xf32, #tpu.memory_space<vmem>>, %arg3: memref<128x128xf32, #tpu.memory_space<vmem>>, %arg4: memref<1x128xf32, #tpu.memory_space<vmem>>, %arg5: memref<128x128xf32, #tpu.memory_space<vmem>>, %arg6: memref<1x128xf32, #tpu.memory_space<vmem>>, %arg7: memref<128x128xf32, #tpu.memory_space<vmem>>, %arg8: memref<1x128xf32, #tpu.memory_space<vmem>>, %arg9: memref<1x128xf32, #tpu.memory_space<vmem>>, %arg10: memref<1x128xf32, #tpu.memory_space<vmem>>, %arg11: memref<128x128xf32, #tpu.memory_space<vmem>>, %arg12: memref<128x16xf32, #tpu.memory_space<vmem>>, %arg13: memref<128x128xf32, #tpu.memory_space<vmem>>, %arg14: memref<1000x16xf32, #tpu.memory_space<vmem>>, %arg15: memref<1000x16xf32, #tpu.memory_space<vmem>>, %arg16: memref<1000x128xf32, #tpu.memory_space<vmem>>, %arg17: memref<1000x128xf32, #tpu.memory_space<vmem>>) attributes {dimension_semantics = [#tpu.dimension_semantics<arbitrary>], iteration_bounds = array<i64: 10>, scalar_prefetch = 0 : i64, scratch_operands = 0 : i64, tpu.core_type = #tpu.core_type<tc>, window_params = [{transform_indices = @transform_0, window_bounds = array<i64: 1000, 128>}, {transform_indices = @transform_1, window_bounds = array<i64: 1000, 1>}, {pipeline_mode = #tpu.pipeline_mode<synchronous>, transform_indices = @transform_2, window_bounds = array<i64: 128, 128>}, {pipeline_mode = #tpu.pipeline_mode<synchronous>, transform_indices = @transform_3, window_bounds = array<i64: 1, 128>}, {pipeline_mode = #tpu.pipeline_mode<synchronous>, transform_indices = @transform_4, window_bounds = array<i64: 128, 128>}, {pipeline_mode = #tpu.pipeline_mode<synchronous>, transform_indices = @transform_5, window_bounds = array<i64: 1, 128>}, {pipeline_mode = #tpu.pipeline_mode<synchronous>, transform_indices = @transform_6, window_bounds = array<i64: 128, 128>}, {pipeline_mode = #tpu.pipeline_mode<synchronous>, transform_indices = @transform_7, window_bounds = array<i64: 1, 128>}, {pipeline_mode = #tpu.pipeline_mode<synchronous>, transform_indices = @transform_8, window_bounds = array<i64: 1, 128>}, {pipeline_mode = #tpu.pipeline_mode<synchronous>, transform_indices = @transform_9, window_bounds = array<i64: 1, 128>}, {pipeline_mode = #tpu.pipeline_mode<synchronous>, transform_indices = @transform_10, window_bounds = array<i64: 128, 128>}, {pipeline_mode = #tpu.pipeline_mode<synchronous>, transform_indices = @transform_11, window_bounds = array<i64: 128, 16>}, {pipeline_mode = #tpu.pipeline_mode<synchronous>, transform_indices = @transform_12, window_bounds = array<i64: 128, 128>}, {transform_indices = @transform_13, window_bounds = array<i64: 1000, 16>}, {transform_indices = @transform_14, window_bounds = array<i64: 1000, 16>}, {transform_indices = @transform_15, window_bounds = array<i64: 1000, 128>}, {transform_indices = @transform_16, window_bounds = array<i64: 1000, 128>}]} {
    %get3A = arith.constant 0 : index
    %get3A_0 = arith.constant 0 : index
    %get3A_1 = vector.load %arg2[%get3A, %get3A_0] : memref<1000x1xf32, #tpu.memory_space<vmem>>, vector<1000x1xf32>
    %get3A_2 = arith.constant 0 : index
    %get3A_3 = arith.constant 0 : index
    %get3A_4 = vector.load %arg9[%get3A_2, %get3A_3] : memref<1x128xf32, #tpu.memory_space<vmem>>, vector<1x128xf32>
    %mul3A = vector.broadcast %get3A_1 : vector<1000x1xf32> to vector<1000x128xf32>
    %mul3A_5 = vector.broadcast %get3A_4 : vector<1x128xf32> to vector<1000x128xf32>
    %mul3A_6 = arith.mulf %mul3A, %mul3A_5 : vector<1000x128xf32>
    %get3A_7 = arith.constant 0 : index
    %get3A_8 = arith.constant 0 : index
    %get3A_9 = vector.load %arg10[%get3A_7, %get3A_8] : memref<1x128xf32, #tpu.memory_space<vmem>>, vector<1x128xf32>
    %add3A = vector.broadcast %get3A_9 : vector<1x128xf32> to vector<1000x128xf32>
    %add3A_10 = arith.addf %mul3A_6, %add3A : vector<1000x128xf32>
    %cos3A = math.cos %add3A_10 : vector<1000x128xf32>
    %sin3A = math.sin %add3A_10 : vector<1000x128xf32>
    %get3A_11 = arith.constant 0 : index
    %get3A_12 = arith.constant 0 : index
    %get3A_13 = vector.load %arg1[%get3A_11, %get3A_12] : memref<1000x128xf32, #tpu.memory_space<vmem>>, vector<1000x128xf32>
    %get3A_14 = arith.constant 0 : index
    %get3A_15 = arith.constant 0 : index
    %get3A_16 = vector.load %arg3[%get3A_14, %get3A_15] : memref<128x128xf32, #tpu.memory_space<vmem>>, vector<128x128xf32>
    %dot_general3A = arith.constant dense<0.000000e+00> : vector<1000x128xf32>
    %dot_general3A_17 = tpu.matmul %get3A_13, %get3A_16, %dot_general3A {dimension_numbers = #tpu.dot_dimension_numbers<[1], [0], [0], [1], [0, 0, 1, 1], [], []>, transpose_lhs_hint = false} : vector<1000x128xf32>, vector<128x128xf32>, vector<1000x128xf32> -> vector<1000x128xf32>
    %get3A_18 = arith.constant 0 : index
    %get3A_19 = arith.constant 0 : index
    %get3A_20 = vector.load %arg4[%get3A_18, %get3A_19] : memref<1x128xf32, #tpu.memory_space<vmem>>, vector<1x128xf32>
    %add3A_21 = vector.broadcast %get3A_20 : vector<1x128xf32> to vector<1000x128xf32>
    %add3A_22 = arith.addf %dot_general3A_17, %add3A_21 : vector<1000x128xf32>
    %get3A_23 = arith.constant 0 : index
    %get3A_24 = arith.constant 0 : index
    %get3A_25 = vector.load %arg5[%get3A_23, %get3A_24] : memref<128x128xf32, #tpu.memory_space<vmem>>, vector<128x128xf32>
    %dot_general3A_26 = arith.constant dense<0.000000e+00> : vector<1000x128xf32>
    %dot_general3A_27 = tpu.matmul %get3A_13, %get3A_25, %dot_general3A_26 {dimension_numbers = #tpu.dot_dimension_numbers<[1], [0], [0], [1], [0, 0, 1, 1], [], []>, transpose_lhs_hint = false} : vector<1000x128xf32>, vector<128x128xf32>, vector<1000x128xf32> -> vector<1000x128xf32>
    %get3A_28 = arith.constant 0 : index
    %get3A_29 = arith.constant 0 : index
    %get3A_30 = vector.load %arg6[%get3A_28, %get3A_29] : memref<1x128xf32, #tpu.memory_space<vmem>>, vector<1x128xf32>
    %add3A_31 = vector.broadcast %get3A_30 : vector<1x128xf32> to vector<1000x128xf32>
    %add3A_32 = arith.addf %dot_general3A_27, %add3A_31 : vector<1000x128xf32>
    %get3A_33 = arith.constant 0 : index
    %get3A_34 = arith.constant 0 : index
    %get3A_35 = vector.load %arg7[%get3A_33, %get3A_34] : memref<128x128xf32, #tpu.memory_space<vmem>>, vector<128x128xf32>
    %dot_general3A_36 = arith.constant dense<0.000000e+00> : vector<1000x128xf32>
    %dot_general3A_37 = tpu.matmul %get3A_13, %get3A_35, %dot_general3A_36 {dimension_numbers = #tpu.dot_dimension_numbers<[1], [0], [0], [1], [0, 0, 1, 1], [], []>, transpose_lhs_hint = false} : vector<1000x128xf32>, vector<128x128xf32>, vector<1000x128xf32> -> vector<1000x128xf32>
    %get3A_38 = arith.constant 0 : index
    %get3A_39 = arith.constant 0 : index
    %get3A_40 = vector.load %arg8[%get3A_38, %get3A_39] : memref<1x128xf32, #tpu.memory_space<vmem>>, vector<1x128xf32>
    %add3A_41 = vector.broadcast %get3A_40 : vector<1x128xf32> to vector<1000x128xf32>
    %add3A_42 = arith.addf %dot_general3A_37, %add3A_41 : vector<1000x128xf32>
    %mul3A_43 = arith.mulf %add3A_22, %cos3A : vector<1000x128xf32>
    %get3A_44 = arith.constant 0 : index
    %get3A_45 = arith.constant 0 : index
    %get3A_46 = vector.load %arg11[%get3A_44, %get3A_45] : memref<128x128xf32, #tpu.memory_space<vmem>>, vector<128x128xf32>
    %dot_general3A_47 = arith.constant dense<0.000000e+00> : vector<1000x128xf32>
    %dot_general3A_48 = tpu.matmul %add3A_22, %get3A_46, %dot_general3A_47 {dimension_numbers = #tpu.dot_dimension_numbers<[1], [0], [0], [1], [0, 0, 1, 1], [], []>, transpose_lhs_hint = false} : vector<1000x128xf32>, vector<128x128xf32>, vector<1000x128xf32> -> vector<1000x128xf32>
    %mul3A_49 = arith.mulf %dot_general3A_48, %sin3A : vector<1000x128xf32>
    %add3A_50 = arith.addf %mul3A_43, %mul3A_49 : vector<1000x128xf32>
    %mul3A_51 = arith.mulf %add3A_32, %cos3A : vector<1000x128xf32>
    %get3A_52 = arith.constant 0 : index
    %get3A_53 = arith.constant 0 : index
    %get3A_54 = vector.load %arg11[%get3A_52, %get3A_53] : memref<128x128xf32, #tpu.memory_space<vmem>>, vector<128x128xf32>
    %dot_general3A_55 = arith.constant dense<0.000000e+00> : vector<1000x128xf32>
    %dot_general3A_56 = tpu.matmul %add3A_32, %get3A_54, %dot_general3A_55 {dimension_numbers = #tpu.dot_dimension_numbers<[1], [0], [0], [1], [0, 0, 1, 1], [], []>, transpose_lhs_hint = false} : vector<1000x128xf32>, vector<128x128xf32>, vector<1000x128xf32> -> vector<1000x128xf32>
    %mul3A_57 = arith.mulf %dot_general3A_56, %sin3A : vector<1000x128xf32>
    %add3A_58 = arith.addf %mul3A_51, %mul3A_57 : vector<1000x128xf32>
    %get3A_59 = arith.constant 0 : index
    %get3A_60 = arith.constant 0 : index
    %get3A_61 = vector.load %arg12[%get3A_59, %get3A_60] : memref<128x16xf32, #tpu.memory_space<vmem>>, vector<128x16xf32>
    %dot_general3A_62 = arith.constant dense<0.000000e+00> : vector<1000x16xf32>
    %dot_general3A_63 = tpu.matmul %add3A_58, %get3A_61, %dot_general3A_62 {dimension_numbers = #tpu.dot_dimension_numbers<[1], [0], [0], [1], [0, 0, 1, 1], [], []>, transpose_lhs_hint = false} : vector<1000x128xf32>, vector<128x16xf32>, vector<1000x16xf32> -> vector<1000x16xf32>
    %swap3A = arith.constant 0 : index
    %swap3A_64 = arith.constant 0 : index
    %swap3A_65 = vector.load %arg14[%swap3A, %swap3A_64] : memref<1000x16xf32, #tpu.memory_space<vmem>>, vector<1000x16xf32>
    tpu.vector_store %arg14[%swap3A, %swap3A_64], %dot_general3A_63 {strides = array<i32>} : memref<1000x16xf32, #tpu.memory_space<vmem>>, vector<1000x16xf32>,
    %get3A_66 = arith.constant 0 : index
    %get3A_67 = arith.constant 0 : index
    %get3A_68 = vector.load %arg12[%get3A_66, %get3A_67] : memref<128x16xf32, #tpu.memory_space<vmem>>, vector<128x16xf32>
    %dot_general3A_69 = arith.constant dense<0.000000e+00> : vector<1000x16xf32>
    %dot_general3A_70 = tpu.matmul %add3A_50, %get3A_68, %dot_general3A_69 {dimension_numbers = #tpu.dot_dimension_numbers<[1], [0], [0], [1], [0, 0, 1, 1], [], []>, transpose_lhs_hint = false} : vector<1000x128xf32>, vector<128x16xf32>, vector<1000x16xf32> -> vector<1000x16xf32>
    %swap3A_71 = arith.constant 0 : index
    %swap3A_72 = arith.constant 0 : index
    %swap3A_73 = vector.load %arg15[%swap3A_71, %swap3A_72] : memref<1000x16xf32, #tpu.memory_space<vmem>>, vector<1000x16xf32>
    tpu.vector_store %arg15[%swap3A_71, %swap3A_72], %dot_general3A_70 {strides = array<i32>} : memref<1000x16xf32, #tpu.memory_space<vmem>>, vector<1000x16xf32>,
    %get3A_74 = arith.constant 0 : index
    %get3A_75 = arith.constant 0 : index
    %get3A_76 = vector.load %arg13[%get3A_74, %get3A_75] : memref<128x128xf32, #tpu.memory_space<vmem>>, vector<128x128xf32>
    %dot_general3A_77 = arith.constant dense<0.000000e+00> : vector<1000x128xf32>
    %dot_general3A_78 = tpu.matmul %add3A_58, %get3A_76, %dot_general3A_77 {dimension_numbers = #tpu.dot_dimension_numbers<[1], [0], [0], [1], [0, 0, 1, 1], [], []>, transpose_lhs_hint = false} : vector<1000x128xf32>, vector<128x128xf32>, vector<1000x128xf32> -> vector<1000x128xf32>
    %add3A_79 = arith.addf %add3A_42, %dot_general3A_78 : vector<1000x128xf32>
    %swap3A_80 = arith.constant 0 : index
    %swap3A_81 = arith.constant 0 : index
    %swap3A_82 = vector.load %arg16[%swap3A_80, %swap3A_81] : memref<1000x128xf32, #tpu.memory_space<vmem>>, vector<1000x128xf32>
    tpu.vector_store %arg16[%swap3A_80, %swap3A_81], %add3A_79 {strides = array<i32>} : memref<1000x128xf32, #tpu.memory_space<vmem>>, vector<1000x128xf32>,
    %get3A_83 = arith.constant 0 : index
    %get3A_84 = arith.constant 0 : index
    %get3A_85 = vector.load %arg13[%get3A_83, %get3A_84] : memref<128x128xf32, #tpu.memory_space<vmem>>, vector<128x128xf32>
    %dot_general3A_86 = arith.constant dense<0.000000e+00> : vector<1000x128xf32>
    %dot_general3A_87 = tpu.matmul %add3A_50, %get3A_85, %dot_general3A_86 {dimension_numbers = #tpu.dot_dimension_numbers<[1], [0], [0], [1], [0, 0, 1, 1], [], []>, transpose_lhs_hint = false} : vector<1000x128xf32>, vector<128x128xf32>, vector<1000x128xf32> -> vector<1000x128xf32>
    %swap3A_88 = arith.constant 0 : index
    %swap3A_89 = arith.constant 0 : index
    %swap3A_90 = vector.load %arg17[%swap3A_88, %swap3A_89] : memref<1000x128xf32, #tpu.memory_space<vmem>>, vector<1000x128xf32>
    tpu.vector_store %arg17[%swap3A_88, %swap3A_89], %dot_general3A_87 {strides = array<i32>} : memref<1000x128xf32, #tpu.memory_space<vmem>>, vector<1000x128xf32>,
    return
  }
  func.func @transform_0(%arg0: i32) -> (i32, i32) {
    %c0_i32 = arith.constant 0 : i32
    %c0_i32_0 = arith.constant 0 : i32
    return %arg0, %c0_i32 : i32, i32
  }
  func.func @transform_1(%arg0: i32) -> (i32, i32) {
    %c0_i32 = arith.constant 0 : i32
    %c0_i32_0 = arith.constant 0 : i32
    return %arg0, %c0_i32 : i32, i32
  }
  func.func @transform_2(%arg0: i32) -> (i32, i32) {
    %c0_i32 = arith.constant 0 : i32
    %c0_i32_0 = arith.constant 0 : i32
    %c0_i32_1 = arith.constant 0 : i32
    return %c0_i32, %c0_i32_0 : i32, i32
  }
  func.func @transform_3(%arg0: i32) -> (i32, i32) {
    %c0_i32 = arith.constant 0 : i32
    %c0_i32_0 = arith.constant 0 : i32
    %c0_i32_1 = arith.constant 0 : i32
    return %c0_i32, %c0_i32_0 : i32, i32
  }
  func.func @transform_4(%arg0: i32) -> (i32, i32) {
    %c0_i32 = arith.constant 0 : i32
    %c0_i32_0 = arith.constant 0 : i32
    %c0_i32_1 = arith.constant 0 : i32
    return %c0_i32, %c0_i32_0 : i32, i32
  }
  func.func @transform_5(%arg0: i32) -> (i32, i32) {
    %c0_i32 = arith.constant 0 : i32
    %c0_i32_0 = arith.constant 0 : i32
    %c0_i32_1 = arith.constant 0 : i32
    return %c0_i32, %c0_i32_0 : i32, i32
  }
  func.func @transform_6(%arg0: i32) -> (i32, i32) {
    %c0_i32 = arith.constant 0 : i32
    %c0_i32_0 = arith.constant 0 : i32
    %c0_i32_1 = arith.constant 0 : i32
    return %c0_i32, %c0_i32_0 : i32, i32
  }
  func.func @transform_7(%arg0: i32) -> (i32, i32) {
    %c0_i32 = arith.constant 0 : i32
    %c0_i32_0 = arith.constant 0 : i32
    %c0_i32_1 = arith.constant 0 : i32
    return %c0_i32, %c0_i32_0 : i32, i32
  }
  func.func @transform_8(%arg0: i32) -> (i32, i32) {
    %c0_i32 = arith.constant 0 : i32
    %c0_i32_0 = arith.constant 0 : i32
    %c0_i32_1 = arith.constant 0 : i32
    return %c0_i32, %c0_i32_0 : i32, i32
  }
  func.func @transform_9(%arg0: i32) -> (i32, i32) {
    %c0_i32 = arith.constant 0 : i32
    %c0_i32_0 = arith.constant 0 : i32
    %c0_i32_1 = arith.constant 0 : i32
    return %c0_i32, %c0_i32_0 : i32, i32
  }
  func.func @transform_10(%arg0: i32) -> (i32, i32) {
    %c0_i32 = arith.constant 0 : i32
    %c0_i32_0 = arith.constant 0 : i32
    %c0_i32_1 = arith.constant 0 : i32
    return %c0_i32, %c0_i32_0 : i32, i32
  }
  func.func @transform_11(%arg0: i32) -> (i32, i32) {
    %c0_i32 = arith.constant 0 : i32
    %c0_i32_0 = arith.constant 0 : i32
    %c0_i32_1 = arith.constant 0 : i32
    return %c0_i32, %c0_i32_0 : i32, i32
  }
  func.func @transform_12(%arg0: i32) -> (i32, i32) {
    %c0_i32 = arith.constant 0 : i32
    %c0_i32_0 = arith.constant 0 : i32
    %c0_i32_1 = arith.constant 0 : i32
    return %c0_i32, %c0_i32_0 : i32, i32
  }
  func.func @transform_13(%arg0: i32) -> (i32, i32) {
    %c0_i32 = arith.constant 0 : i32
    %c0_i32_0 = arith.constant 0 : i32
    return %arg0, %c0_i32 : i32, i32
  }
  func.func @transform_14(%arg0: i32) -> (i32, i32) {
    %c0_i32 = arith.constant 0 : i32
    %c0_i32_0 = arith.constant 0 : i32
    return %arg0, %c0_i32 : i32, i32
  }
  func.func @transform_15(%arg0: i32) -> (i32, i32) {
    %c0_i32 = arith.constant 0 : i32
    %c0_i32_0 = arith.constant 0 : i32
    return %arg0, %c0_i32 : i32, i32
  }
  func.func @transform_16(%arg0: i32) -> (i32, i32) {
    %c0_i32 = arith.constant 0 : i32
    %c0_i32_0 = arith.constant 0 : i32
    return %arg0, %c0_i32 : i32, i32
  }
}

module attributes {stable_mosaic.version = 14 : i64} {
  func.func @_tcl_body(%arg0: i32, %arg1: memref<2500x128xf32, #tpu.memory_space<vmem>>, %arg2: memref<2500x128xf32, #tpu.memory_space<vmem>>) attributes {dimension_semantics = [#tpu.dimension_semantics<arbitrary>], iteration_bounds = array<i64: 1>, scalar_prefetch = 0 : i64, scratch_operands = 0 : i64, tpu.core_type = #tpu.core_type<tc>, window_params = [{pipeline_mode = #tpu.pipeline_mode<synchronous>, transform_indices = @transform_0, window_bounds = array<i64: 2500, 128>}, {pipeline_mode = #tpu.pipeline_mode<synchronous>, transform_indices = @transform_1, window_bounds = array<i64: 2500, 128>}]} {
    %get3A = arith.constant 0 : index
    %get3A_0 = arith.constant 0 : index
    %get3A_1 = vector.load %arg1[%get3A, %get3A_0] : memref<2500x128xf32, #tpu.memory_space<vmem>>, vector<2500x128xf32>
    %log3A = math.log %get3A_1 : vector<2500x128xf32>
    %swap3A = arith.constant 0 : index
    %swap3A_2 = arith.constant 0 : index
    %swap3A_3 = vector.load %arg2[%swap3A, %swap3A_2] : memref<2500x128xf32, #tpu.memory_space<vmem>>, vector<2500x128xf32>
    tpu.vector_store %arg2[%swap3A, %swap3A_2], %log3A {strides = array<i32>} : memref<2500x128xf32, #tpu.memory_space<vmem>>, vector<2500x128xf32>,
    return
  }
  func.func @transform_0(%arg0: i32) -> (i32, i32) {
    %c0_i32 = arith.constant 0 : i32
    %c0_i32_0 = arith.constant 0 : i32
    %c0_i32_1 = arith.constant 0 : i32
    return %c0_i32, %c0_i32_0 : i32, i32
  }
  func.func @transform_1(%arg0: i32) -> (i32, i32) {
    %c0_i32 = arith.constant 0 : i32
    %c0_i32_0 = arith.constant 0 : i32
    %c0_i32_1 = arith.constant 0 : i32
    return %c0_i32, %c0_i32_0 : i32, i32
  }
}

module attributes {stable_mosaic.version = 14 : i64} {
  func.func @_tcb_body(%arg0: i32, %arg1: memref<5000x128xf32, #tpu.memory_space<vmem>>, %arg2: memref<2500x128xf32, #tpu.memory_space<vmem>>, %arg3: memref<1x128xf32, #tpu.memory_space<vmem>>, %arg4: memref<128x128xf32, #tpu.memory_space<vmem>>, %arg5: memref<1x128xf32, #tpu.memory_space<vmem>>, %arg6: memref<128x128xf32, #tpu.memory_space<vmem>>, %arg7: memref<8x128x128xf32, #tpu.memory_space<vmem>>, %arg8: memref<128x128xf32, #tpu.memory_space<vmem>>, %arg9: memref<1x625x128xf32, #tpu.memory_space<vmem>>, %arg10: memref<5000x128xf32, #tpu.memory_space<vmem>>) attributes {dimension_semantics = [#tpu.dimension_semantics<arbitrary>], iteration_bounds = array<i64: 64>, scalar_prefetch = 0 : i64, scratch_operands = 0 : i64, tpu.core_type = #tpu.core_type<tc>, window_params = [{transform_indices = @transform_0, window_bounds = array<i64: 5000, 128>}, {pipeline_mode = #tpu.pipeline_mode<synchronous>, transform_indices = @transform_1, window_bounds = array<i64: 2500, 128>}, {pipeline_mode = #tpu.pipeline_mode<synchronous>, transform_indices = @transform_2, window_bounds = array<i64: 1, 128>}, {pipeline_mode = #tpu.pipeline_mode<synchronous>, transform_indices = @transform_3, window_bounds = array<i64: 128, 128>}, {pipeline_mode = #tpu.pipeline_mode<synchronous>, transform_indices = @transform_4, window_bounds = array<i64: 1, 128>}, {pipeline_mode = #tpu.pipeline_mode<synchronous>, transform_indices = @transform_5, window_bounds = array<i64: 128, 128>}, {pipeline_mode = #tpu.pipeline_mode<synchronous>, transform_indices = @transform_6, window_bounds = array<i64: 8, 128, 128>}, {pipeline_mode = #tpu.pipeline_mode<synchronous>, transform_indices = @transform_7, window_bounds = array<i64: 128, 128>}, {transform_indices = @transform_8, window_bounds = array<i64: 1, 625, 128>}, {transform_indices = @transform_9, window_bounds = array<i64: 5000, 128>}]} {
    %iota3A = tpu.iota {dimensions = array<i32: 1>} : vector<1x128xi32>
    %mul3A = arith.constant 2 : i32
    %mul3A_0 = arith.muli %mul3A, %arg0 : i32
    %eq3A = vector.broadcast %mul3A_0 : i32 to vector<1x128xi32>
    %eq3A_1 = arith.cmpi eq, %iota3A, %eq3A : vector<1x128xi32>
    %get3A = arith.constant 0 : index
    %get3A_2 = arith.constant 0 : index
    %get3A_3 = vector.load %arg3[%get3A, %get3A_2] : memref<1x128xf32, #tpu.memory_space<vmem>>, vector<1x128xf32>
    %jit3A = arith.constant 0.000000e+00 : f32
    %broadcast_in_dim3A = vector.broadcast %jit3A : f32 to vector<1x128xf32>
    %select_n3A = arith.select %eq3A_1, %get3A_3, %broadcast_in_dim3A : vector<1x128xi1>, vector<1x128xf32>
    %reduce_sum3A = vector.shape_cast %select_n3A : vector<1x128xf32> to vector<1x1x128xf32>
    %reduce_sum3A_4 = arith.constant dense<0.000000e+00> : vector<1xf32>
    %reduce_sum3A_5 = vector.multi_reduction <add>, %reduce_sum3A, %reduce_sum3A_4 [1, 2] : vector<1x1x128xf32> to vector<1xf32>
    %reduce_sum3A_6 = vector.shape_cast %reduce_sum3A_5 : vector<1xf32> to vector<1x1x1xf32>
    %reduce_sum3A_7 = vector.extract %reduce_sum3A_6[0, 0, 0] : f32 from vector<1x1x1xf32>
    %get3A_8 = arith.constant 0 : index
    %get3A_9 = arith.constant 0 : index
    %get3A_10 = vector.load %arg2[%get3A_8, %get3A_9] : memref<2500x128xf32, #tpu.memory_space<vmem>>, vector<2500x128xf32>
    %mul3A_11 = vector.broadcast %reduce_sum3A_7 : f32 to vector<2500x128xf32>
    %mul3A_12 = arith.mulf %mul3A_11, %get3A_10 : vector<2500x128xf32>
    %exp3A = math.exp %mul3A_12 : vector<2500x128xf32>
    %cos3A = math.cos %exp3A : vector<2500x128xf32>
    %sin3A = math.sin %exp3A : vector<2500x128xf32>
    %concatenate3A = tpu.concatenate %cos3A, %cos3A in 0 : vector<2500x128xf32>, vector<2500x128xf32> -> vector<5000x128xf32>
    %concatenate3A_13 = tpu.concatenate %sin3A, %sin3A in 0 : vector<2500x128xf32>, vector<2500x128xf32> -> vector<5000x128xf32>
    %get3A_14 = arith.constant 0 : index
    %get3A_15 = arith.constant 0 : index
    %get3A_16 = vector.load %arg1[%get3A_14, %get3A_15] : memref<5000x128xf32, #tpu.memory_space<vmem>>, vector<5000x128xf32>
    %get3A_17 = arith.constant 0 : index
    %get3A_18 = arith.constant 0 : index
    %get3A_19 = vector.load %arg4[%get3A_17, %get3A_18] : memref<128x128xf32, #tpu.memory_space<vmem>>, vector<128x128xf32>
    %dot_general3A = arith.constant dense<0.000000e+00> : vector<5000x128xf32>
    %dot_general3A_20 = tpu.matmul %get3A_16, %get3A_19, %dot_general3A {dimension_numbers = #tpu.dot_dimension_numbers<[1], [0], [0], [1], [0, 0, 1, 1], [], []>, transpose_lhs_hint = false} : vector<5000x128xf32>, vector<128x128xf32>, vector<5000x128xf32> -> vector<5000x128xf32>
    %get3A_21 = arith.constant 0 : index
    %get3A_22 = arith.constant 0 : index
    %get3A_23 = vector.load %arg5[%get3A_21, %get3A_22] : memref<1x128xf32, #tpu.memory_space<vmem>>, vector<1x128xf32>
    %add3A = vector.broadcast %get3A_23 : vector<1x128xf32> to vector<5000x128xf32>
    %add3A_24 = arith.addf %dot_general3A_20, %add3A : vector<5000x128xf32>
    %mul3A_25 = arith.mulf %add3A_24, %concatenate3A : vector<5000x128xf32>
    %get3A_26 = arith.constant 0 : index
    %get3A_27 = arith.constant 0 : index
    %get3A_28 = vector.load %arg6[%get3A_26, %get3A_27] : memref<128x128xf32, #tpu.memory_space<vmem>>, vector<128x128xf32>
    %dot_general3A_29 = arith.constant dense<0.000000e+00> : vector<5000x128xf32>
    %dot_general3A_30 = tpu.matmul %add3A_24, %get3A_28, %dot_general3A_29 {dimension_numbers = #tpu.dot_dimension_numbers<[1], [0], [0], [1], [0, 0, 1, 1], [], []>, transpose_lhs_hint = false} : vector<5000x128xf32>, vector<128x128xf32>, vector<5000x128xf32> -> vector<5000x128xf32>
    %mul3A_31 = arith.mulf %dot_general3A_30, %concatenate3A_13 : vector<5000x128xf32>
    %add3A_32 = arith.addf %mul3A_25, %mul3A_31 : vector<5000x128xf32>
    %reshape3A = vector.shape_cast %add3A_32 : vector<5000x128xf32> to vector<625x8x128xf32>
    %slice3A = vector.extract_strided_slice %reshape3A {offsets = [0, 0, 0], sizes = [625, 1, 128], strides = [1, 1, 1]} : vector<625x8x128xf32> to vector<625x1x128xf32>
    %squeeze3A = vector.shape_cast %slice3A : vector<625x1x128xf32> to vector<625x128xf32>
    %get3A_33 = arith.constant 0 : index
    %get3A_34 = arith.constant 0 : index
    %get3A_35 = arith.constant 0 : index
    %get3A_36 = vector.load %arg7[%get3A_33, %get3A_34, %get3A_35] : memref<8x128x128xf32, #tpu.memory_space<vmem>>, vector<1x128x128xf32>
    %get3A_37 = vector.shape_cast %get3A_36 : vector<1x128x128xf32> to vector<128x128xf32>
    %dot_general3A_38 = arith.constant dense<0.000000e+00> : vector<625x128xf32>
    %dot_general3A_39 = tpu.matmul %squeeze3A, %get3A_37, %dot_general3A_38 {dimension_numbers = #tpu.dot_dimension_numbers<[1], [0], [0], [1], [0, 0, 1, 1], [], []>, transpose_lhs_hint = false} : vector<625x128xf32>, vector<128x128xf32>, vector<625x128xf32> -> vector<625x128xf32>
    %slice3A_40 = vector.extract_strided_slice %reshape3A {offsets = [0, 1, 0], sizes = [625, 1, 128], strides = [1, 1, 1]} : vector<625x8x128xf32> to vector<625x1x128xf32>
    %squeeze3A_41 = vector.shape_cast %slice3A_40 : vector<625x1x128xf32> to vector<625x128xf32>
    %get3A_42 = arith.constant 1 : index
    %get3A_43 = arith.constant 0 : index
    %get3A_44 = arith.constant 0 : index
    %get3A_45 = vector.load %arg7[%get3A_42, %get3A_43, %get3A_44] : memref<8x128x128xf32, #tpu.memory_space<vmem>>, vector<1x128x128xf32>
    %get3A_46 = vector.shape_cast %get3A_45 : vector<1x128x128xf32> to vector<128x128xf32>
    %dot_general3A_47 = arith.constant dense<0.000000e+00> : vector<625x128xf32>
    %dot_general3A_48 = tpu.matmul %squeeze3A_41, %get3A_46, %dot_general3A_47 {dimension_numbers = #tpu.dot_dimension_numbers<[1], [0], [0], [1], [0, 0, 1, 1], [], []>, transpose_lhs_hint = false} : vector<625x128xf32>, vector<128x128xf32>, vector<625x128xf32> -> vector<625x128xf32>
    %add3A_49 = arith.addf %dot_general3A_39, %dot_general3A_48 : vector<625x128xf32>
    %slice3A_50 = vector.extract_strided_slice %reshape3A {offsets = [0, 2, 0], sizes = [625, 1, 128], strides = [1, 1, 1]} : vector<625x8x128xf32> to vector<625x1x128xf32>
    %squeeze3A_51 = vector.shape_cast %slice3A_50 : vector<625x1x128xf32> to vector<625x128xf32>
    %get3A_52 = arith.constant 2 : index
    %get3A_53 = arith.constant 0 : index
    %get3A_54 = arith.constant 0 : index
    %get3A_55 = vector.load %arg7[%get3A_52, %get3A_53, %get3A_54] : memref<8x128x128xf32, #tpu.memory_space<vmem>>, vector<1x128x128xf32>
    %get3A_56 = vector.shape_cast %get3A_55 : vector<1x128x128xf32> to vector<128x128xf32>
    %dot_general3A_57 = arith.constant dense<0.000000e+00> : vector<625x128xf32>
    %dot_general3A_58 = tpu.matmul %squeeze3A_51, %get3A_56, %dot_general3A_57 {dimension_numbers = #tpu.dot_dimension_numbers<[1], [0], [0], [1], [0, 0, 1, 1], [], []>, transpose_lhs_hint = false} : vector<625x128xf32>, vector<128x128xf32>, vector<625x128xf32> -> vector<625x128xf32>
    %add3A_59 = arith.addf %add3A_49, %dot_general3A_58 : vector<625x128xf32>
    %slice3A_60 = vector.extract_strided_slice %reshape3A {offsets = [0, 3, 0], sizes = [625, 1, 128], strides = [1, 1, 1]} : vector<625x8x128xf32> to vector<625x1x128xf32>
    %squeeze3A_61 = vector.shape_cast %slice3A_60 : vector<625x1x128xf32> to vector<625x128xf32>
    %get3A_62 = arith.constant 3 : index
    %get3A_63 = arith.constant 0 : index
    %get3A_64 = arith.constant 0 : index
    %get3A_65 = vector.load %arg7[%get3A_62, %get3A_63, %get3A_64] : memref<8x128x128xf32, #tpu.memory_space<vmem>>, vector<1x128x128xf32>
    %get3A_66 = vector.shape_cast %get3A_65 : vector<1x128x128xf32> to vector<128x128xf32>
    %dot_general3A_67 = arith.constant dense<0.000000e+00> : vector<625x128xf32>
    %dot_general3A_68 = tpu.matmul %squeeze3A_61, %get3A_66, %dot_general3A_67 {dimension_numbers = #tpu.dot_dimension_numbers<[1], [0], [0], [1], [0, 0, 1, 1], [], []>, transpose_lhs_hint = false} : vector<625x128xf32>, vector<128x128xf32>, vector<625x128xf32> -> vector<625x128xf32>
    %add3A_69 = arith.addf %add3A_59, %dot_general3A_68 : vector<625x128xf32>
    %slice3A_70 = vector.extract_strided_slice %reshape3A {offsets = [0, 4, 0], sizes = [625, 1, 128], strides = [1, 1, 1]} : vector<625x8x128xf32> to vector<625x1x128xf32>
    %squeeze3A_71 = vector.shape_cast %slice3A_70 : vector<625x1x128xf32> to vector<625x128xf32>
    %get3A_72 = arith.constant 4 : index
    %get3A_73 = arith.constant 0 : index
    %get3A_74 = arith.constant 0 : index
    %get3A_75 = vector.load %arg7[%get3A_72, %get3A_73, %get3A_74] : memref<8x128x128xf32, #tpu.memory_space<vmem>>, vector<1x128x128xf32>
    %get3A_76 = vector.shape_cast %get3A_75 : vector<1x128x128xf32> to vector<128x128xf32>
    %dot_general3A_77 = arith.constant dense<0.000000e+00> : vector<625x128xf32>
    %dot_general3A_78 = tpu.matmul %squeeze3A_71, %get3A_76, %dot_general3A_77 {dimension_numbers = #tpu.dot_dimension_numbers<[1], [0], [0], [1], [0, 0, 1, 1], [], []>, transpose_lhs_hint = false} : vector<625x128xf32>, vector<128x128xf32>, vector<625x128xf32> -> vector<625x128xf32>
    %add3A_79 = arith.addf %add3A_69, %dot_general3A_78 : vector<625x128xf32>
    %slice3A_80 = vector.extract_strided_slice %reshape3A {offsets = [0, 5, 0], sizes = [625, 1, 128], strides = [1, 1, 1]} : vector<625x8x128xf32> to vector<625x1x128xf32>
    %squeeze3A_81 = vector.shape_cast %slice3A_80 : vector<625x1x128xf32> to vector<625x128xf32>
    %get3A_82 = arith.constant 5 : index
    %get3A_83 = arith.constant 0 : index
    %get3A_84 = arith.constant 0 : index
    %get3A_85 = vector.load %arg7[%get3A_82, %get3A_83, %get3A_84] : memref<8x128x128xf32, #tpu.memory_space<vmem>>, vector<1x128x128xf32>
    %get3A_86 = vector.shape_cast %get3A_85 : vector<1x128x128xf32> to vector<128x128xf32>
    %dot_general3A_87 = arith.constant dense<0.000000e+00> : vector<625x128xf32>
    %dot_general3A_88 = tpu.matmul %squeeze3A_81, %get3A_86, %dot_general3A_87 {dimension_numbers = #tpu.dot_dimension_numbers<[1], [0], [0], [1], [0, 0, 1, 1], [], []>, transpose_lhs_hint = false} : vector<625x128xf32>, vector<128x128xf32>, vector<625x128xf32> -> vector<625x128xf32>
    %add3A_89 = arith.addf %add3A_79, %dot_general3A_88 : vector<625x128xf32>
    %slice3A_90 = vector.extract_strided_slice %reshape3A {offsets = [0, 6, 0], sizes = [625, 1, 128], strides = [1, 1, 1]} : vector<625x8x128xf32> to vector<625x1x128xf32>
    %squeeze3A_91 = vector.shape_cast %slice3A_90 : vector<625x1x128xf32> to vector<625x128xf32>
    %get3A_92 = arith.constant 6 : index
    %get3A_93 = arith.constant 0 : index
    %get3A_94 = arith.constant 0 : index
    %get3A_95 = vector.load %arg7[%get3A_92, %get3A_93, %get3A_94] : memref<8x128x128xf32, #tpu.memory_space<vmem>>, vector<1x128x128xf32>
    %get3A_96 = vector.shape_cast %get3A_95 : vector<1x128x128xf32> to vector<128x128xf32>
    %dot_general3A_97 = arith.constant dense<0.000000e+00> : vector<625x128xf32>
    %dot_general3A_98 = tpu.matmul %squeeze3A_91, %get3A_96, %dot_general3A_97 {dimension_numbers = #tpu.dot_dimension_numbers<[1], [0], [0], [1], [0, 0, 1, 1], [], []>, transpose_lhs_hint = false} : vector<625x128xf32>, vector<128x128xf32>, vector<625x128xf32> -> vector<625x128xf32>
    %add3A_99 = arith.addf %add3A_89, %dot_general3A_98 : vector<625x128xf32>
    %slice3A_100 = vector.extract_strided_slice %reshape3A {offsets = [0, 7, 0], sizes = [625, 1, 128], strides = [1, 1, 1]} : vector<625x8x128xf32> to vector<625x1x128xf32>
    %squeeze3A_101 = vector.shape_cast %slice3A_100 : vector<625x1x128xf32> to vector<625x128xf32>
    %get3A_102 = arith.constant 7 : index
    %get3A_103 = arith.constant 0 : index
    %get3A_104 = arith.constant 0 : index
    %get3A_105 = vector.load %arg7[%get3A_102, %get3A_103, %get3A_104] : memref<8x128x128xf32, #tpu.memory_space<vmem>>, vector<1x128x128xf32>
    %get3A_106 = vector.shape_cast %get3A_105 : vector<1x128x128xf32> to vector<128x128xf32>
    %dot_general3A_107 = arith.constant dense<0.000000e+00> : vector<625x128xf32>
    %dot_general3A_108 = tpu.matmul %squeeze3A_101, %get3A_106, %dot_general3A_107 {dimension_numbers = #tpu.dot_dimension_numbers<[1], [0], [0], [1], [0, 0, 1, 1], [], []>, transpose_lhs_hint = false} : vector<625x128xf32>, vector<128x128xf32>, vector<625x128xf32> -> vector<625x128xf32>
    %add3A_109 = arith.addf %add3A_99, %dot_general3A_108 : vector<625x128xf32>
    %swap3A = arith.constant 0 : index
    %swap3A_110 = arith.constant 0 : index
    %swap3A_111 = arith.constant 0 : index
    %swap3A_112 = vector.load %arg9[%swap3A, %swap3A_110, %swap3A_111] : memref<1x625x128xf32, #tpu.memory_space<vmem>>, vector<1x625x128xf32>
    %swap3A_113 = vector.shape_cast %swap3A_112 : vector<1x625x128xf32> to vector<625x128xf32>
    %swap3A_114 = vector.shape_cast %add3A_109 : vector<625x128xf32> to vector<1x625x128xf32>
    tpu.vector_store %arg9[%swap3A, %swap3A_110, %swap3A_111], %swap3A_114 {strides = array<i32>} : memref<1x625x128xf32, #tpu.memory_space<vmem>>, vector<1x625x128xf32>,
    %get3A_115 = arith.constant 0 : index
    %get3A_116 = arith.constant 0 : index
    %get3A_117 = vector.load %arg8[%get3A_115, %get3A_116] : memref<128x128xf32, #tpu.memory_space<vmem>>, vector<128x128xf32>
    %dot_general3A_118 = arith.constant dense<0.000000e+00> : vector<5000x128xf32>
    %dot_general3A_119 = tpu.matmul %add3A_32, %get3A_117, %dot_general3A_118 {dimension_numbers = #tpu.dot_dimension_numbers<[1], [0], [0], [1], [0, 0, 1, 1], [], []>, transpose_lhs_hint = false} : vector<5000x128xf32>, vector<128x128xf32>, vector<5000x128xf32> -> vector<5000x128xf32>
    %swap3A_120 = arith.constant 0 : index
    %swap3A_121 = arith.constant 0 : index
    %swap3A_122 = vector.load %arg10[%swap3A_120, %swap3A_121] : memref<5000x128xf32, #tpu.memory_space<vmem>>, vector<5000x128xf32>
    tpu.vector_store %arg10[%swap3A_120, %swap3A_121], %dot_general3A_119 {strides = array<i32>} : memref<5000x128xf32, #tpu.memory_space<vmem>>, vector<5000x128xf32>,
    return
  }
  func.func @transform_0(%arg0: i32) -> (i32, i32) {
    %c0_i32 = arith.constant 0 : i32
    %c0_i32_0 = arith.constant 0 : i32
    return %arg0, %c0_i32 : i32, i32
  }
  func.func @transform_1(%arg0: i32) -> (i32, i32) {
    %c0_i32 = arith.constant 0 : i32
    %c0_i32_0 = arith.constant 0 : i32
    %c0_i32_1 = arith.constant 0 : i32
    return %c0_i32, %c0_i32_0 : i32, i32
  }
  func.func @transform_2(%arg0: i32) -> (i32, i32) {
    %c0_i32 = arith.constant 0 : i32
    %c0_i32_0 = arith.constant 0 : i32
    %c0_i32_1 = arith.constant 0 : i32
    return %c0_i32, %c0_i32_0 : i32, i32
  }
  func.func @transform_3(%arg0: i32) -> (i32, i32) {
    %c0_i32 = arith.constant 0 : i32
    %c0_i32_0 = arith.constant 0 : i32
    %c0_i32_1 = arith.constant 0 : i32
    return %c0_i32, %c0_i32_0 : i32, i32
  }
  func.func @transform_4(%arg0: i32) -> (i32, i32) {
    %c0_i32 = arith.constant 0 : i32
    %c0_i32_0 = arith.constant 0 : i32
    %c0_i32_1 = arith.constant 0 : i32
    return %c0_i32, %c0_i32_0 : i32, i32
  }
  func.func @transform_5(%arg0: i32) -> (i32, i32) {
    %c0_i32 = arith.constant 0 : i32
    %c0_i32_0 = arith.constant 0 : i32
    %c0_i32_1 = arith.constant 0 : i32
    return %c0_i32, %c0_i32_0 : i32, i32
  }
  func.func @transform_6(%arg0: i32) -> (i32, i32, i32) {
    %c0_i32 = arith.constant 0 : i32
    %c0_i32_0 = arith.constant 0 : i32
    %c0_i32_1 = arith.constant 0 : i32
    %c0_i32_2 = arith.constant 0 : i32
    return %c0_i32, %c0_i32_0, %c0_i32_1 : i32, i32, i32
  }
  func.func @transform_7(%arg0: i32) -> (i32, i32) {
    %c0_i32 = arith.constant 0 : i32
    %c0_i32_0 = arith.constant 0 : i32
    %c0_i32_1 = arith.constant 0 : i32
    return %c0_i32, %c0_i32_0 : i32, i32
  }
  func.func @transform_8(%arg0: i32) -> (i32, i32, i32) {
    %c0_i32 = arith.constant 0 : i32
    %c0_i32_0 = arith.constant 0 : i32
    %c0_i32_1 = arith.constant 0 : i32
    return %arg0, %c0_i32, %c0_i32_0 : i32, i32, i32
  }
  func.func @transform_9(%arg0: i32) -> (i32, i32) {
    %c0_i32 = arith.constant 0 : i32
    %c0_i32_0 = arith.constant 0 : i32
    return %arg0, %c0_i32 : i32, i32
  }
}

module attributes {stable_mosaic.version = 14 : i64} {
  func.func @_tcd_body(%arg0: i32, %arg1: memref<320x128xf32, #tpu.memory_space<vmem>>, %arg2: memref<320x128xf32, #tpu.memory_space<vmem>>, %arg3: memref<2560x128xf32, #tpu.memory_space<vmem>>, %arg4: memref<2560x128xf32, #tpu.memory_space<vmem>>, %arg5: memref<2560x128xf32, #tpu.memory_space<vmem>>, %arg6: memref<128x128xf32, #tpu.memory_space<vmem>>, %arg7: memref<1x128xf32, #tpu.memory_space<vmem>>, %arg8: memref<8x128x128xf32, #tpu.memory_space<vmem>>, %arg9: memref<2560x128xf32, #tpu.memory_space<vmem>>, %arg10: memref<2560x128xf32, #tpu.memory_space<vmem>>, %arg11: memref<320x128xf32, #tpu.memory_space<vmem>>) attributes {dimension_semantics = [#tpu.dimension_semantics<arbitrary>], iteration_bounds = array<i64: 125>, scalar_prefetch = 0 : i64, scratch_operands = 0 : i64, tpu.core_type = #tpu.core_type<tc>, window_params = [{transform_indices = @transform_0, window_bounds = array<i64: 320, 128>}, {transform_indices = @transform_1, window_bounds = array<i64: 320, 128>}, {transform_indices = @transform_2, window_bounds = array<i64: 2560, 128>}, {transform_indices = @transform_3, window_bounds = array<i64: 2560, 128>}, {transform_indices = @transform_4, window_bounds = array<i64: 2560, 128>}, {pipeline_mode = #tpu.pipeline_mode<synchronous>, transform_indices = @transform_5, window_bounds = array<i64: 128, 128>}, {pipeline_mode = #tpu.pipeline_mode<synchronous>, transform_indices = @transform_6, window_bounds = array<i64: 1, 128>}, {pipeline_mode = #tpu.pipeline_mode<synchronous>, transform_indices = @transform_7, window_bounds = array<i64: 8, 128, 128>}, {transform_indices = @transform_8, window_bounds = array<i64: 2560, 128>}, {transform_indices = @transform_9, window_bounds = array<i64: 2560, 128>}, {transform_indices = @transform_10, window_bounds = array<i64: 320, 128>}]} {
    %get3A = arith.constant 0 : index
    %get3A_0 = arith.constant 0 : index
    %get3A_1 = vector.load %arg1[%get3A, %get3A_0] : memref<320x128xf32, #tpu.memory_space<vmem>>, vector<320x128xf32>
    %get3A_2 = arith.constant 0 : index
    %get3A_3 = arith.constant 0 : index
    %get3A_4 = vector.load %arg2[%get3A_2, %get3A_3] : memref<320x128xf32, #tpu.memory_space<vmem>>, vector<320x128xf32>
    %add3A = arith.addf %get3A_1, %get3A_4 : vector<320x128xf32>
    %mul3A = arith.constant 0.333333343 : f32
    %mul3A_5 = vector.broadcast %mul3A : f32 to vector<320x128xf32>
    %mul3A_6 = arith.mulf %add3A, %mul3A_5 : vector<320x128xf32>
    %jit3A = arith.constant -5.000000e+00 : f32
    %jit3A_7 = arith.constant 5.000000e+00 : f32
    %max3A = vector.broadcast %jit3A : f32 to vector<320x128xf32>
    %max3A_8 = arith.maximumf %max3A, %mul3A_6 : vector<320x128xf32>
    %min3A = vector.broadcast %jit3A_7 : f32 to vector<320x128xf32>
    %min3A_9 = arith.minimumf %min3A, %max3A_8 : vector<320x128xf32>
    %exp3A = math.exp %min3A_9 : vector<320x128xf32>
    %swap3A = arith.constant 0 : index
    %swap3A_10 = arith.constant 0 : index
    %swap3A_11 = vector.load %arg11[%swap3A, %swap3A_10] : memref<320x128xf32, #tpu.memory_space<vmem>>, vector<320x128xf32>
    tpu.vector_store %arg11[%swap3A, %swap3A_10], %exp3A {strides = array<i32>} : memref<320x128xf32, #tpu.memory_space<vmem>>, vector<320x128xf32>,
    %get3A_12 = arith.constant 0 : index
    %get3A_13 = arith.constant 0 : index
    %get3A_14 = arith.constant 0 : index
    %get3A_15 = vector.load %arg8[%get3A_12, %get3A_13, %get3A_14] : memref<8x128x128xf32, #tpu.memory_space<vmem>>, vector<8x128x128xf32>
    %concatenate3A = tpu.concatenate %exp3A, %min3A_9 in 0 : vector<320x128xf32>, vector<320x128xf32> -> vector<640x128xf32>
    %slice3A = vector.extract_strided_slice %get3A_15 {offsets = [0, 0, 0], sizes = [1, 128, 128], strides = [1, 1, 1]} : vector<8x128x128xf32> to vector<1x128x128xf32>
    %squeeze3A = vector.shape_cast %slice3A : vector<1x128x128xf32> to vector<128x128xf32>
    %dot_general3A = arith.constant dense<0.000000e+00> : vector<640x128xf32>
    %dot_general3A_16 = tpu.matmul %concatenate3A, %squeeze3A, %dot_general3A {dimension_numbers = #tpu.dot_dimension_numbers<[1], [0], [0], [1], [0, 0, 1, 1], [], []>, transpose_lhs_hint = false} : vector<640x128xf32>, vector<128x128xf32>, vector<640x128xf32> -> vector<640x128xf32>
    %slice3A_17 = vector.extract_strided_slice %get3A_15 {offsets = [1, 0, 0], sizes = [1, 128, 128], strides = [1, 1, 1]} : vector<8x128x128xf32> to vector<1x128x128xf32>
    %squeeze3A_18 = vector.shape_cast %slice3A_17 : vector<1x128x128xf32> to vector<128x128xf32>
    %dot_general3A_19 = arith.constant dense<0.000000e+00> : vector<640x128xf32>
    %dot_general3A_20 = tpu.matmul %concatenate3A, %squeeze3A_18, %dot_general3A_19 {dimension_numbers = #tpu.dot_dimension_numbers<[1], [0], [0], [1], [0, 0, 1, 1], [], []>, transpose_lhs_hint = false} : vector<640x128xf32>, vector<128x128xf32>, vector<640x128xf32> -> vector<640x128xf32>
    %slice3A_21 = vector.extract_strided_slice %get3A_15 {offsets = [2, 0, 0], sizes = [1, 128, 128], strides = [1, 1, 1]} : vector<8x128x128xf32> to vector<1x128x128xf32>
    %squeeze3A_22 = vector.shape_cast %slice3A_21 : vector<1x128x128xf32> to vector<128x128xf32>
    %dot_general3A_23 = arith.constant dense<0.000000e+00> : vector<640x128xf32>
    %dot_general3A_24 = tpu.matmul %concatenate3A, %squeeze3A_22, %dot_general3A_23 {dimension_numbers = #tpu.dot_dimension_numbers<[1], [0], [0], [1], [0, 0, 1, 1], [], []>, transpose_lhs_hint = false} : vector<640x128xf32>, vector<128x128xf32>, vector<640x128xf32> -> vector<640x128xf32>
    %slice3A_25 = vector.extract_strided_slice %get3A_15 {offsets = [3, 0, 0], sizes = [1, 128, 128], strides = [1, 1, 1]} : vector<8x128x128xf32> to vector<1x128x128xf32>
    %squeeze3A_26 = vector.shape_cast %slice3A_25 : vector<1x128x128xf32> to vector<128x128xf32>
    %dot_general3A_27 = arith.constant dense<0.000000e+00> : vector<640x128xf32>
    %dot_general3A_28 = tpu.matmul %concatenate3A, %squeeze3A_26, %dot_general3A_27 {dimension_numbers = #tpu.dot_dimension_numbers<[1], [0], [0], [1], [0, 0, 1, 1], [], []>, transpose_lhs_hint = false} : vector<640x128xf32>, vector<128x128xf32>, vector<640x128xf32> -> vector<640x128xf32>
    %slice3A_29 = vector.extract_strided_slice %get3A_15 {offsets = [4, 0, 0], sizes = [1, 128, 128], strides = [1, 1, 1]} : vector<8x128x128xf32> to vector<1x128x128xf32>
    %squeeze3A_30 = vector.shape_cast %slice3A_29 : vector<1x128x128xf32> to vector<128x128xf32>
    %dot_general3A_31 = arith.constant dense<0.000000e+00> : vector<640x128xf32>
    %dot_general3A_32 = tpu.matmul %concatenate3A, %squeeze3A_30, %dot_general3A_31 {dimension_numbers = #tpu.dot_dimension_numbers<[1], [0], [0], [1], [0, 0, 1, 1], [], []>, transpose_lhs_hint = false} : vector<640x128xf32>, vector<128x128xf32>, vector<640x128xf32> -> vector<640x128xf32>
    %slice3A_33 = vector.extract_strided_slice %get3A_15 {offsets = [5, 0, 0], sizes = [1, 128, 128], strides = [1, 1, 1]} : vector<8x128x128xf32> to vector<1x128x128xf32>
    %squeeze3A_34 = vector.shape_cast %slice3A_33 : vector<1x128x128xf32> to vector<128x128xf32>
    %dot_general3A_35 = arith.constant dense<0.000000e+00> : vector<640x128xf32>
    %dot_general3A_36 = tpu.matmul %concatenate3A, %squeeze3A_34, %dot_general3A_35 {dimension_numbers = #tpu.dot_dimension_numbers<[1], [0], [0], [1], [0, 0, 1, 1], [], []>, transpose_lhs_hint = false} : vector<640x128xf32>, vector<128x128xf32>, vector<640x128xf32> -> vector<640x128xf32>
    %slice3A_37 = vector.extract_strided_slice %get3A_15 {offsets = [6, 0, 0], sizes = [1, 128, 128], strides = [1, 1, 1]} : vector<8x128x128xf32> to vector<1x128x128xf32>
    %squeeze3A_38 = vector.shape_cast %slice3A_37 : vector<1x128x128xf32> to vector<128x128xf32>
    %dot_general3A_39 = arith.constant dense<0.000000e+00> : vector<640x128xf32>
    %dot_general3A_40 = tpu.matmul %concatenate3A, %squeeze3A_38, %dot_general3A_39 {dimension_numbers = #tpu.dot_dimension_numbers<[1], [0], [0], [1], [0, 0, 1, 1], [], []>, transpose_lhs_hint = false} : vector<640x128xf32>, vector<128x128xf32>, vector<640x128xf32> -> vector<640x128xf32>
    %slice3A_41 = vector.extract_strided_slice %get3A_15 {offsets = [7, 0, 0], sizes = [1, 128, 128], strides = [1, 1, 1]} : vector<8x128x128xf32> to vector<1x128x128xf32>
    %squeeze3A_42 = vector.shape_cast %slice3A_41 : vector<1x128x128xf32> to vector<128x128xf32>
    %dot_general3A_43 = arith.constant dense<0.000000e+00> : vector<640x128xf32>
    %dot_general3A_44 = tpu.matmul %concatenate3A, %squeeze3A_42, %dot_general3A_43 {dimension_numbers = #tpu.dot_dimension_numbers<[1], [0], [0], [1], [0, 0, 1, 1], [], []>, transpose_lhs_hint = false} : vector<640x128xf32>, vector<128x128xf32>, vector<640x128xf32> -> vector<640x128xf32>
    %stack3A = vector.shape_cast %dot_general3A_16 : vector<640x128xf32> to vector<640x1x128xf32>
    %stack3A_45 = vector.shape_cast %dot_general3A_20 : vector<640x128xf32> to vector<640x1x128xf32>
    %stack3A_46 = vector.shape_cast %dot_general3A_24 : vector<640x128xf32> to vector<640x1x128xf32>
    %stack3A_47 = vector.shape_cast %dot_general3A_28 : vector<640x128xf32> to vector<640x1x128xf32>
    %stack3A_48 = vector.shape_cast %dot_general3A_32 : vector<640x128xf32> to vector<640x1x128xf32>
    %stack3A_49 = vector.shape_cast %dot_general3A_36 : vector<640x128xf32> to vector<640x1x128xf32>
    %stack3A_50 = vector.shape_cast %dot_general3A_40 : vector<640x128xf32> to vector<640x1x128xf32>
    %stack3A_51 = vector.shape_cast %dot_general3A_44 : vector<640x128xf32> to vector<640x1x128xf32>
    %stack3A_52 = tpu.concatenate %stack3A, %stack3A_45, %stack3A_46, %stack3A_47, %stack3A_48, %stack3A_49, %stack3A_50, %stack3A_51 in 1 : vector<640x1x128xf32>, vector<640x1x128xf32>, vector<640x1x128xf32>, vector<640x1x128xf32>, vector<640x1x128xf32>, vector<640x1x128xf32>, vector<640x1x128xf32>, vector<640x1x128xf32> -> vector<640x8x128xf32>
    %slice3A_53 = vector.extract_strided_slice %stack3A_52 {offsets = [0, 0, 0], sizes = [320, 8, 128], strides = [1, 1, 1]} : vector<640x8x128xf32> to vector<320x8x128xf32>
    %reshape3A = vector.shape_cast %slice3A_53 : vector<320x8x128xf32> to vector<2560x128xf32>
    %slice3A_54 = vector.extract_strided_slice %stack3A_52 {offsets = [320, 0, 0], sizes = [320, 8, 128], strides = [1, 1, 1]} : vector<640x8x128xf32> to vector<320x8x128xf32>
    %reshape3A_55 = vector.shape_cast %slice3A_54 : vector<320x8x128xf32> to vector<2560x128xf32>
    %get3A_56 = arith.constant 0 : index
    %get3A_57 = arith.constant 0 : index
    %get3A_58 = vector.load %arg3[%get3A_56, %get3A_57] : memref<2560x128xf32, #tpu.memory_space<vmem>>, vector<2560x128xf32>
    %get3A_59 = arith.constant 0 : index
    %get3A_60 = arith.constant 0 : index
    %get3A_61 = vector.load %arg4[%get3A_59, %get3A_60] : memref<2560x128xf32, #tpu.memory_space<vmem>>, vector<2560x128xf32>
    %add3A_62 = arith.addf %get3A_58, %get3A_61 : vector<2560x128xf32>
    %mul3A_63 = arith.mulf %reshape3A, %add3A_62 : vector<2560x128xf32>
    %swap3A_64 = arith.constant 0 : index
    %swap3A_65 = arith.constant 0 : index
    %swap3A_66 = vector.load %arg9[%swap3A_64, %swap3A_65] : memref<2560x128xf32, #tpu.memory_space<vmem>>, vector<2560x128xf32>
    tpu.vector_store %arg9[%swap3A_64, %swap3A_65], %mul3A_63 {strides = array<i32>} : memref<2560x128xf32, #tpu.memory_space<vmem>>, vector<2560x128xf32>,
    %get3A_67 = arith.constant 0 : index
    %get3A_68 = arith.constant 0 : index
    %get3A_69 = vector.load %arg5[%get3A_67, %get3A_68] : memref<2560x128xf32, #tpu.memory_space<vmem>>, vector<2560x128xf32>
    %get3A_70 = arith.constant 0 : index
    %get3A_71 = arith.constant 0 : index
    %get3A_72 = vector.load %arg6[%get3A_70, %get3A_71] : memref<128x128xf32, #tpu.memory_space<vmem>>, vector<128x128xf32>
    %dot_general3A_73 = arith.constant dense<0.000000e+00> : vector<2560x128xf32>
    %dot_general3A_74 = tpu.matmul %get3A_69, %get3A_72, %dot_general3A_73 {dimension_numbers = #tpu.dot_dimension_numbers<[1], [0], [0], [1], [0, 0, 1, 1], [], []>, transpose_lhs_hint = false} : vector<2560x128xf32>, vector<128x128xf32>, vector<2560x128xf32> -> vector<2560x128xf32>
    %get3A_75 = arith.constant 0 : index
    %get3A_76 = arith.constant 0 : index
    %get3A_77 = vector.load %arg7[%get3A_75, %get3A_76] : memref<1x128xf32, #tpu.memory_space<vmem>>, vector<1x128xf32>
    %add3A_78 = vector.broadcast %get3A_77 : vector<1x128xf32> to vector<2560x128xf32>
    %add3A_79 = arith.addf %dot_general3A_74, %add3A_78 : vector<2560x128xf32>
    %mul3A_80 = arith.mulf %add3A_79, %reshape3A_55 : vector<2560x128xf32>
    %swap3A_81 = arith.constant 0 : index
    %swap3A_82 = arith.constant 0 : index
    %swap3A_83 = vector.load %arg10[%swap3A_81, %swap3A_82] : memref<2560x128xf32, #tpu.memory_space<vmem>>, vector<2560x128xf32>
    tpu.vector_store %arg10[%swap3A_81, %swap3A_82], %mul3A_80 {strides = array<i32>} : memref<2560x128xf32, #tpu.memory_space<vmem>>, vector<2560x128xf32>,
    return
  }
  func.func @transform_0(%arg0: i32) -> (i32, i32) {
    %c0_i32 = arith.constant 0 : i32
    %c0_i32_0 = arith.constant 0 : i32
    return %arg0, %c0_i32 : i32, i32
  }
  func.func @transform_1(%arg0: i32) -> (i32, i32) {
    %c0_i32 = arith.constant 0 : i32
    %c0_i32_0 = arith.constant 0 : i32
    return %arg0, %c0_i32 : i32, i32
  }
  func.func @transform_2(%arg0: i32) -> (i32, i32) {
    %c0_i32 = arith.constant 0 : i32
    %c0_i32_0 = arith.constant 0 : i32
    return %arg0, %c0_i32 : i32, i32
  }
  func.func @transform_3(%arg0: i32) -> (i32, i32) {
    %c0_i32 = arith.constant 0 : i32
    %c0_i32_0 = arith.constant 0 : i32
    return %arg0, %c0_i32 : i32, i32
  }
  func.func @transform_4(%arg0: i32) -> (i32, i32) {
    %c0_i32 = arith.constant 0 : i32
    %c0_i32_0 = arith.constant 0 : i32
    return %arg0, %c0_i32 : i32, i32
  }
  func.func @transform_5(%arg0: i32) -> (i32, i32) {
    %c0_i32 = arith.constant 0 : i32
    %c0_i32_0 = arith.constant 0 : i32
    %c0_i32_1 = arith.constant 0 : i32
    return %c0_i32, %c0_i32_0 : i32, i32
  }
  func.func @transform_6(%arg0: i32) -> (i32, i32) {
    %c0_i32 = arith.constant 0 : i32
    %c0_i32_0 = arith.constant 0 : i32
    %c0_i32_1 = arith.constant 0 : i32
    return %c0_i32, %c0_i32_0 : i32, i32
  }
  func.func @transform_7(%arg0: i32) -> (i32, i32, i32) {
    %c0_i32 = arith.constant 0 : i32
    %c0_i32_0 = arith.constant 0 : i32
    %c0_i32_1 = arith.constant 0 : i32
    %c0_i32_2 = arith.constant 0 : i32
    return %c0_i32, %c0_i32_0, %c0_i32_1 : i32, i32, i32
  }
  func.func @transform_8(%arg0: i32) -> (i32, i32) {
    %c0_i32 = arith.constant 0 : i32
    %c0_i32_0 = arith.constant 0 : i32
    return %arg0, %c0_i32 : i32, i32
  }
  func.func @transform_9(%arg0: i32) -> (i32, i32) {
    %c0_i32 = arith.constant 0 : i32
    %c0_i32_0 = arith.constant 0 : i32
    return %arg0, %c0_i32 : i32, i32
  }
  func.func @transform_10(%arg0: i32) -> (i32, i32) {
    %c0_i32 = arith.constant 0 : i32
    %c0_i32_0 = arith.constant 0 : i32
    return %arg0, %c0_i32 : i32, i32
  }
}

module attributes {stable_mosaic.version = 14 : i64} {
  func.func @_tce_body(%arg0: i32, %arg1: memref<1000x128xf32, #tpu.memory_space<vmem>>, %arg2: memref<1000x128xf32, #tpu.memory_space<vmem>>, %arg3: memref<1000x16xf32, #tpu.memory_space<vmem>>, %arg4: memref<1000x16xf32, #tpu.memory_space<vmem>>, %arg5: memref<1000x128xf32, #tpu.memory_space<vmem>>, %arg6: memref<16x128xf32, #tpu.memory_space<vmem>>, %arg7: memref<1000x128xf32, #tpu.memory_space<vmem>>) attributes {dimension_semantics = [#tpu.dimension_semantics<arbitrary>], iteration_bounds = array<i64: 10>, scalar_prefetch = 0 : i64, scratch_operands = 0 : i64, tpu.core_type = #tpu.core_type<tc>, window_params = [{transform_indices = @transform_0, window_bounds = array<i64: 1000, 128>}, {transform_indices = @transform_1, window_bounds = array<i64: 1000, 128>}, {transform_indices = @transform_2, window_bounds = array<i64: 1000, 16>}, {transform_indices = @transform_3, window_bounds = array<i64: 1000, 16>}, {transform_indices = @transform_4, window_bounds = array<i64: 1000, 128>}, {pipeline_mode = #tpu.pipeline_mode<synchronous>, transform_indices = @transform_5, window_bounds = array<i64: 16, 128>}, {transform_indices = @transform_6, window_bounds = array<i64: 1000, 128>}]} {
    %get3A = arith.constant 0 : index
    %get3A_0 = arith.constant 0 : index
    %get3A_1 = vector.load %arg3[%get3A, %get3A_0] : memref<1000x16xf32, #tpu.memory_space<vmem>>, vector<1000x16xf32>
    %get3A_2 = arith.constant 0 : index
    %get3A_3 = arith.constant 0 : index
    %get3A_4 = vector.load %arg4[%get3A_2, %get3A_3] : memref<1000x16xf32, #tpu.memory_space<vmem>>, vector<1000x16xf32>
    %add3A = arith.addf %get3A_1, %get3A_4 : vector<1000x16xf32>
    %get3A_5 = arith.constant 0 : index
    %get3A_6 = arith.constant 0 : index
    %get3A_7 = vector.load %arg6[%get3A_5, %get3A_6] : memref<16x128xf32, #tpu.memory_space<vmem>>, vector<16x128xf32>
    %dot_general3A = arith.constant dense<0.000000e+00> : vector<1000x128xf32>
    %dot_general3A_8 = tpu.matmul %add3A, %get3A_7, %dot_general3A {dimension_numbers = #tpu.dot_dimension_numbers<[1], [0], [0], [1], [0, 0, 1, 1], [], []>, transpose_lhs_hint = false} : vector<1000x16xf32>, vector<16x128xf32>, vector<1000x128xf32> -> vector<1000x128xf32>
    %get3A_9 = arith.constant 0 : index
    %get3A_10 = arith.constant 0 : index
    %get3A_11 = vector.load %arg1[%get3A_9, %get3A_10] : memref<1000x128xf32, #tpu.memory_space<vmem>>, vector<1000x128xf32>
    %get3A_12 = arith.constant 0 : index
    %get3A_13 = arith.constant 0 : index
    %get3A_14 = vector.load %arg2[%get3A_12, %get3A_13] : memref<1000x128xf32, #tpu.memory_space<vmem>>, vector<1000x128xf32>
    %add3A_15 = arith.addf %get3A_11, %get3A_14 : vector<1000x128xf32>
    %get3A_16 = arith.constant 0 : index
    %get3A_17 = arith.constant 0 : index
    %get3A_18 = vector.load %arg5[%get3A_16, %get3A_17] : memref<1000x128xf32, #tpu.memory_space<vmem>>, vector<1000x128xf32>
    %mul3A = arith.mulf %dot_general3A_8, %get3A_18 : vector<1000x128xf32>
    %add3A_19 = arith.addf %add3A_15, %mul3A : vector<1000x128xf32>
    %add3A_20 = arith.constant 1.000000e-16 : f32
    %add3A_21 = vector.broadcast %add3A_20 : f32 to vector<1000x128xf32>
    %add3A_22 = arith.addf %dot_general3A_8, %add3A_21 : vector<1000x128xf32>
    %div3A = arith.divf %add3A_19, %add3A_22 : vector<1000x128xf32>
    %swap3A = arith.constant 0 : index
    %swap3A_23 = arith.constant 0 : index
    %swap3A_24 = vector.load %arg7[%swap3A, %swap3A_23] : memref<1000x128xf32, #tpu.memory_space<vmem>>, vector<1000x128xf32>
    tpu.vector_store %arg7[%swap3A, %swap3A_23], %div3A {strides = array<i32>} : memref<1000x128xf32, #tpu.memory_space<vmem>>, vector<1000x128xf32>,
    return
  }
  func.func @transform_0(%arg0: i32) -> (i32, i32) {
    %c0_i32 = arith.constant 0 : i32
    %c0_i32_0 = arith.constant 0 : i32
    return %arg0, %c0_i32 : i32, i32
  }
  func.func @transform_1(%arg0: i32) -> (i32, i32) {
    %c0_i32 = arith.constant 0 : i32
    %c0_i32_0 = arith.constant 0 : i32
    return %arg0, %c0_i32 : i32, i32
  }
  func.func @transform_2(%arg0: i32) -> (i32, i32) {
    %c0_i32 = arith.constant 0 : i32
    %c0_i32_0 = arith.constant 0 : i32
    return %arg0, %c0_i32 : i32, i32
  }
  func.func @transform_3(%arg0: i32) -> (i32, i32) {
    %c0_i32 = arith.constant 0 : i32
    %c0_i32_0 = arith.constant 0 : i32
    return %arg0, %c0_i32 : i32, i32
  }
  func.func @transform_4(%arg0: i32) -> (i32, i32) {
    %c0_i32 = arith.constant 0 : i32
    %c0_i32_0 = arith.constant 0 : i32
    return %arg0, %c0_i32 : i32, i32
  }
  func.func @transform_5(%arg0: i32) -> (i32, i32) {
    %c0_i32 = arith.constant 0 : i32
    %c0_i32_0 = arith.constant 0 : i32
    %c0_i32_1 = arith.constant 0 : i32
    return %c0_i32, %c0_i32_0 : i32, i32
  }
  func.func @transform_6(%arg0: i32) -> (i32, i32) {
    %c0_i32 = arith.constant 0 : i32
    %c0_i32_0 = arith.constant 0 : i32
    return %arg0, %c0_i32 : i32, i32
  }
}

</mosaic_0001>

<sc_bundles>
// kernel: kernel.12.cloned.1.call-start
scs
__scs_entry_jumppad:
0x0: {  	(pc) =	sbr.rel $0x88, $3  }
0x1: {  	(tag) =	ssettag $0x0;
	lr =	simm.s32 $0x1  }
0x2: {  	[smem:$0x3F8E] =	sst lr;
	_ =	strace $0xD0000000  }
0x3: {  	_ = 	snop  }
0x4: {  	_ = 	snop  }
0x5: {  	_ = 	snop  }
0x6: {  	_ = 	snop  }
0x7: {  	_ = 	snop  }
__scs_overlays_trampoline_lowered:
0x8: {  	[smem:$0x3F9D] =	sst s0  }
0x9: {  	[smem:$0x3F9E] =	sst s1  }
0xa: {  	[smem:$0x3F9F] =	sst s2  }
0xb: {  	[smem:$0x3FA0] =	sst s3  }
0xc: {  	[smem:$0x3FA1] =	sst s4  }
0xd: {  	[smem:$0x3FA2] =	sst s5  }
0xe: {  	[smem:$0x3FA3] =	sst s6  }
0xf: {  	[smem:$0x3FA4] =	sst s7  }
0x10: {  	[smem:$0x3FA5] =	sst s8  }
0x11: {  	[smem:$0x3FA6] =	sst s9;
	s0 =	simm.s32 @!p0 $0x0  }
0x12: {  	s1 =	sld [smem:$0x3F8C];
	s0 =	simm.s32 @p0 $0x1  }
0x13: {  	[smem:$0x3FA7] =	sst s0;
	s0 =	simm.s32 @!p1 $0x0  }
0x14: {  	s2 =	sld [smem:$0x3F8B];
	s0 =	simm.s32 @p1 $0x1  }
0x15: {  	[smem:$0x3FA8] =	sst s0;
	s0 =	simm.s32 @!p2 $0x0  }
0x16: {  	s3 =	sld [smem:$0x3FDB];
	s0 =	simm.s32 @p2 $0x1  }
0x17: {  	s4 =	simm.s32 $0x1BF5;
	[smem:$0x3FAA] =	sst s0  }
0x18: {  	s0 =	sld [smem:$0x3F8D];
	_ =	swait.ge [sflag:s4], $0x0  }
0x19: {  	s7 =	sld [smem:$0x3F8E]  }
0x1a: {  	s8 =	sadd.s32 $0xFFFFE003, lr  }
0x1b: {  	s9 =	sadd.s32 $0xFFFFFEF7, lr;
	s5 =	simm.s32 $0xFFFFFFFF;
	p2 =	slt.u32 s8, $0xFFFFF086  }
0x1c: {  	p1 =	slt.u32 s9, $0xF7A;
	s5 =	simm.s32 @!p2 $0x0  }
0x1d: {  	s5 =	simm.s32 @p1 $0x1;
	p0 =	seq.s32 s7, s2  }
0x1e: {  	s7 =	smul.u32 @!p0 $0xF7A, s2;
	p2 =	seq.s32 @!p0 s5, $0x0  }
0x1f: {  	s9 =	smul.u32 $0xF7A, s1;
	s8 =	simm.s32 @!p0 $0x1BF5;
	p2 =	por !p2, p0  }
0x20: {  	[sflag:s8] =	ssyncset.s32 @!p0 $0xFFFFF086;
	s6 =	sadd.s32 @!p0 s3, s7;
	s7 =	simm.s32 @!p0 $0x108  }
0x21: {  	s3 =	sadd.s32 s3, s9;
	s6 =	sadd.s32 @!p0 $0x88, s6;
	s7 =	simm.s32 @p2 $0x1082  }
0x22: {  	[simem:s7], [sflag:s8] =	dma.local @!p0 [hbm:s6], $0xF7A  }
0x23: {  	s9 =	sor.u32 $0xD0000000, s2;
	s6 =	simm.s32 $0x108;
	_ =	swait.ge @!p0 [sflag:s8], $0x0  }
0x24: {  	s3 =	sadd.s32 $0x88, s3;
	s6 =	simm.s32 @!p1 $0x1082;
	[sflag:s4] =	ssyncset.s32 $0xFFFFF086  }
0x25: {  	[simem:s6], [sflag:s4] =	dma.local [hbm:s3], $0xF7A  }
0x26: {  	[smem:$0x3F8E] =	sst s1;
	(tag) =	ssettag s2;
	_ =	strace s9  }
0x27: {  	s1 =	sld [smem:$0x3F9E]  }
0x28: {  	s2 =	sld [smem:$0x3F9F]  }
0x29: {  	s4 =	sld [smem:$0x3FA1]  }
0x2a: {  	p0 =	seq.s32 s5, $0x0;
	s5 =	sld [smem:$0x3FA2]  }
0x2b: {  	s6 =	sld [smem:$0x3FA3]  }
0x2c: {  	s7 =	sld [smem:$0x3FA4]  }
0x2d: {  	s3 =	simm.s32 $0x108;
	s8 =	sld [smem:$0x3FA5]  }
0x2e: {  	s3 =	simm.s32 @!p0 $0x1082;
	s9 =	sld [smem:$0x3FA6]  }
0x2f: {  	lr =	sadd.s32 s0, s3;
	s0 =	sld [smem:$0x3F9D]  }
0x30: {  	s3 =	sld [smem:$0x3FA0]  }
0x31: {  	[smem:$0x3FA9] =	sst s10  }
0x32: {  	s10 =	sld [smem:$0x3FA7];
	_ =	sdelay $0x3  }
0x33: {  	p0 =	seq.s32 s10, $0x1;
	s10 =	sld [smem:$0x3FA9];
	_ =	sdelay $0x3  }
0x34: {  	[smem:$0x3FA9] =	sst s10  }
0x35: {  	s10 =	sld [smem:$0x3FA8];
	_ =	sdelay $0x3  }
0x36: {  	p1 =	seq.s32 s10, $0x1;
	s10 =	sld [smem:$0x3FA9];
	_ =	sdelay $0x3  }
0x37: {  	[smem:$0x3FA9] =	sst s10  }
0x38: {  	s10 =	sld [smem:$0x3FAA]  }
0x39: {  	_ = 	snop;
	(pc) =	sbr.ind lr, $3  }
0x3a: {  	_ = 	snop  }
0x3b: {  	_ = 	snop  }
0x3c: {  	p2 =	seq.s32 s10, $0x1;
	s10 =	sld [smem:$0x3FA9]  }
0x3d: {  	_ =	shalt  }
0x3e: {  	_ =	shalt  }
0x3f: {  	_ =	shalt  }
0x40: {  	_ =	shalt  }
0x41: {  	_ =	shalt  }
0x42: {  	_ =	shalt  }
0x43: {  	_ =	shalt  }
0x44: {  	_ =	shalt  }
0x45: {  	_ =	shalt  }
0x46: {  	_ =	shalt  }
0x47: {  	_ =	shalt  }
0x48: {  	_ =	shalt  }
0x49: {  	_ =	shalt  }
0x4a: {  	_ =	shalt  }
0x4b: {  	_ =	shalt  }
0x4c: {  	_ =	shalt  }
0x4d: {  	_ =	shalt  }
0x4e: {  	_ =	shalt  }
0x4f: {  	_ =	shalt  }
0x50: {  	_ =	shalt  }
0x51: {  	_ =	shalt  }
0x52: {  	_ =	shalt  }
0x53: {  	_ =	shalt  }
0x54: {  	_ =	shalt  }
0x55: {  	_ =	shalt  }
0x56: {  	_ =	shalt  }
0x57: {  	_ =	shalt  }
0x58: {  	_ =	shalt  }
0x59: {  	_ =	shalt  }
0x5a: {  	_ =	shalt  }
0x5b: {  	_ =	shalt  }
0x5c: {  	_ =	shalt  }
0x5d: {  	_ =	shalt  }
0x5e: {  	_ =	shalt  }
0x5f: {  	_ =	shalt  }
0x60: {  	_ =	shalt  }
0x61: {  	_ =	shalt  }
0x62: {  	_ =	shalt  }
0x63: {  	_ =	shalt  }
0x64: {  	_ =	shalt  }
0x65: {  	_ =	shalt  }
0x66: {  	_ =	shalt  }
0x67: {  	_ =	shalt  }
0x68: {  	_ =	shalt  }
0x69: {  	_ =	shalt  }
0x6a: {  	_ =	shalt  }
0x6b: {  	_ =	shalt  }
0x6c: {  	_ =	shalt  }
0x6d: {  	_ =	shalt  }
0x6e: {  	_ =	shalt  }
0x6f: {  	_ =	shalt  }
0x70: {  	_ =	shalt  }
0x71: {  	_ =	shalt  }
0x72: {  	_ =	shalt  }
0x73: {  	_ =	shalt  }
0x74: {  	_ =	shalt  }
0x75: {  	_ =	shalt  }
0x76: {  	_ =	shalt  }
0x77: {  	_ =	shalt  }
0x78: {  	_ =	shalt  }
0x79: {  	_ =	shalt  }
0x7a: {  	_ =	shalt  }
0x7b: {  	_ =	shalt  }
0x7c: {  	_ =	shalt  }
0x7d: {  	_ =	shalt  }
0x7e: {  	_ =	shalt  }
0x7f: {  	_ =	shalt  }
0x80: {  	_ =	shalt  }
0x81: {  	_ =	shalt  }
0x82: {  	_ =	shalt  }
0x83: {  	_ =	shalt  }
0x84: {  	_ =	shalt  }
0x85: {  	_ =	shalt  }
0x86: {  	_ =	shalt  }
0x87: {  	_ =	shalt  }
.Lfunc_end0:
.L_simem_size_0:
called_computation.1_lowered:
.L_overlay_start_0:
0x88: {  	s2 =	sld [smem:$0x3FD9]  }
0x89: {  	s3 =	sld [smem:$0x3FFE];
	_ =	sdelay $0x1  }
0x8a: {  	s1 =	srdreg.scid  }
0x8b: {  	s0 =	sand.u32 $0x1, s1  }
0x8c: {  	s14 =	sshll.u32 s0, $0xA;
	s2 =	sadd.s32 s3, s2  }
0x8d: {  	s2 =	sadd.s32 s2, s14  }
0x8e: {  	[smem:$0x3FB5] =	sst s2  }
0x8f: {  	_ = 	snop  }
0x90: {  	s2 =	sld [smem:$0x3FD0];
	_ =	sdelay $0x2  }
0x91: {  	s15 =	simm.s32 $0xA;
	s4 =	simm.s32 $0x10  }
0x92: {  	[smem:s4], [sflag:s15] =	dma.local [hbm:s2], $0x1  }
0x93: {  	_ =	swait.eq [sflag:s15], $0x1  }
0x94: {  	[sflag:s15] =	ssyncset.done $0x0  }
0x95: {  	[sflag:s15] =	ssyncadd.s32 $0xFFFFFFFF  }
0x96: {  	s16 =	sld [smem:$0x10];
	(tm) =	ssettm $0x1  }
0x97: {  	s17 =	sld [smem:$0x3FFB];
	_ =	sdelay $0x3  }
0x98: {  	_ =	strace s17  }
0x99: {  	s3 =	sld [smem:$0x3FFC];
	_ =	sdelay $0x3  }
0x9a: {  	_ =	strace s3  }
0x9b: {  	s3 =	sld [smem:$0x3FFD];
	_ =	sdelay $0x3  }
0x9c: {  	_ =	strace s3  }
0x9d: {  	_ =	strace $0x8FFFFFFF  }
0x9e: {  	s18 =	sld [smem:$0x3FDB];
	_ =	sdelay $0x1  }
0x9f: {  	s19 =	simm.s32 $_scs_section_size  }
0xa0: {  	s5 =	simm.s32 $_size__tile_overlayer_lowered;
	s6 =	simm.s32 $_tile_overlayer_lowered  }
0xa1: {  	s22 =	simm.s32 $0x1BFF;
	s21 =	sshll.u32 s6, $0x1;
	s3 =	sadd.s32 s19, s18  }
0xa2: {  	s7 =	simm.s32 $0x0;
	s20 =	sshll.u32 s5, $0x1;
	s5 =	sadd.s32 s21, s3  }
0xa3: {  	[timem:s7], [sflag:s22] =	dma.local [hbm:s5], s20  }
0xa4: {  	_ =	swait.ge [sflag:s22], s20  }
0xa5: {  	s4 =	ssub.s32 $0x0, s20;
	[sflag:s22] =	ssyncset.done $0x0  }
0xa6: {  	[sflag:s22] =	ssyncadd.s32 s4;
	_ =	sdelay $0x1  }
0xa7: {  	s23 =	simm.s32 $0x1B8B  }
0xa8: {  	_ =	swait.ge [sflag:s23], $0x1  }
0xa9: {  	[sflag:s23] =	ssyncset.done $0x0  }
0xaa: {  	s25 =	simm.s32 $0x1B8E;
	s24 =	sld [smem:$0x3FFE];
	[sflag:s23] =	ssyncadd.s32 $0xFFFFFFFF  }
0xab: {  	s26 =	simm.s32 $execute0_lowered;
	[smem:$0x3FD2] =	sst s25  }
0xac: {  	s5 =	sshll.u32 s26, $0x1;
	_ =	strace $0x80000049;
	[dreg:$0x1] =	wrdreg $0xFFFFFFFF  }
0xad: {  	s28 =	simm.s32 $_size_execute0_lowered;
	s3 =	sadd.s32 s3, s5;
	[dreg:$0x0] =	wrdreg $0x0  }
0xae: {  	s5 =	sshll.u32 s28, $0x1;
	[dreg:$0x2] =	wrdreg s3  }
0xaf: {  	[dreg:$0x3] =	wrdreg s5  }
0xb0: {  	[dreg:$0x4] =	wrdreg $0xC0  }
0xb1: {  	_ =	task [dreg:s7], $0x5FFFF  }
0xb2: {  	[dreg:$0x1] =	wrdreg $0xFFFFFFFF  }
0xb3: {  	[dreg:$0x0] =	wrdreg $0x60  }
0xb4: {  	[dreg:$0x2] =	wrdreg s24  }
0xb5: {  	[dreg:$0x3] =	wrdreg s16  }
0xb6: {  	[dreg:$0x4] =	wrdreg $0x5AA00  }
0xb7: {  	[dreg:$0x5] =	wrdreg $0x81B00  }
0xb8: {  	[dreg:$0x6] =	wrdreg $0x9  }
0xb9: {  	_ =	task.clear_ibuf [dreg:s7], $0x7FFFF;
	_ =	strace $0x90000049  }
0xba: {  	s29 =	simm.s32 $0x9;
	_ =	strace $0x8000004B  }
0xbb: {  	_ =	swait.ge [sflag:s29], $0x1  }
0xbc: {  	[sflag:s29] =	ssyncadd.s32 $0xFFFFFFFF  }
0xbd: {  	_ =	strace $0x9000004B  }
0xbe: {  	_ =	sfence  }
0xbf: {  	s30 =	sld [smem:$0x0];
	_ =	sdelay $0x2  }
0xc0: {  	s31 =	sshll.u32 s1, $0xD;
	s1 =	sshrl.u32 s1, $0x2  }
0xc1: {  	s3 =	sand.u32 $0x4000, s31;
	s1 =	sadd.s32 s1, s30  }
0xc2: {  	s0 =	sor.u32 s3, s0;
	s1 =	sshll.u32 s1, $0x11  }
0xc3: {  	s0 =	sor.u32 s1, s0  }
0xc4: {  	s0 =	sadd.s32 $0x8F2B, s0  }
0xc5: {  	[sflag:s0] =	ssyncadd.remote.s32 $0x1  }
0xc6: {  	_ =	sfence.sel $0xFFFF  }
0xc7: {  	[dreg:$0x0] =	wrdreg $0xFFFFFFFF;
	(pc) =	sbr.abs _section_cstart, $3  }
0xc8: {  	[dreg:$0x1] =	wrdreg $0xFFFFFFFF  }
0xc9: {  	_ =	task.clear_ibuf [dreg:s7], $0x2FFFF;
	_ =	strace $0x9FFFFFFF  }
0xca: {  	(tm) =	ssettm $0x7FFFFFFF  }
0xcb: {  	_ =	shalt  }
tec
execute0_lowered:
.L_overlay_start_1:
0x0: {  	(tag) =	ssettag $0x1  }
0x1: {  	s0 =	rddreg [dreg:$0x0]  }
0x2: {  	s5 =	rddreg [dreg:$0x1]  }
0x3: {  	s1 =	rddreg [dreg:$0x2]  }
0x4: {  	s2 =	rddreg [dreg:$0x3];
	s4 =	srdreg.scid  }
0x5: {  	s3 =	simm.s32 $0x0;
	s7 =	stileid.u32;
	s28 =	simm.s32 $0xAA0  }
0x6: {  	s29 =	simm.s32 $0x50;
	s30 =	simm.s32 $0x5A0;
	s9 =	smul.u32 $0x9C40, s7  }
0x7: {  	s31 =	simm.s32 $0x32A0;
	s6 =	sand.u32 $0x1, s4;
	s14 =	smul.u32 $0x4E20, s7  }
0x8: {  	[smem:$0x7FF] =	sst s3;
	s22 =	sshll.u32 s7, $0x1;
	s18 =	smul.u32 $0x4E200, s7  }
0x9: {  	s4 =	sadd.s32 $0x3B600, s0;
	s15 =	sadd.s32 $0x45400, s0;
	s8 =	smul.u32 $0x27100, s6  }
0xa: {  	s11 =	sadd.s32 $0xB41E00, s0;
	s12 =	sadd.s32 $0x2A000, s0;
	s26 =	smul.u32 $0x2710, s6  }
0xb: {  	s10 =	sor.u32 s6, s22;
	s24 =	ssub.s32 $0x2, s6;
	s6 =	smul.u32 $0x4E20, s6  }
0xc: {  	s13 =	sadd.s32 $0x27800, s0;
	p0 =	sne.s32 s7, $0x0;
	s16 =	smul.u32 $0x2710, s10  }
0xd: {  	_ =	strace $0x8000004A;
	[dreg:$0x5] =	wrdreg s12;
	s23 =	smul.u32 $0x4E20, s10  }
0xe: {  	[dreg:$0x6] =	wrdreg s13;
	s10 =	smul.u32 $0x27100, s10;
	s25 =	sshrl.u32 s24, $0x1  }
0xf: {  	s9 =	sshrl.u32 s9, $0x2;
	s0 =	sadd.s32 s8, s0;
	s21 =	ssub.s32 s24, s25  }
0x10: {  	s8 =	sadd.s32 s26, s14;
	s5 =	sadd.s32 s5, s6;
	s12 =	sadd.s32 s15, s23  }
0x11: {  	s19 =	sadd.s32 $0x50, s16;
	s10 =	sadd.s32 s11, s10;
	[dreg:$0xb] =	wrdreg s5  }
0x12: {  	s20 =	sadd.s32 $0xF0, s8;
	s17 =	sadd.s32 $0xA0, s8;
	[dreg:$0x7] =	wrdreg s12  }
0x13: {  	s21 =	smax.u32 s21, $0x1;
	[dreg:$0x8] =	wrdreg s10;
	s13 =	sshll.u32 s19, $0x4  }
0x14: {  	s23 =	sshrl.u32 s20, $0x4;
	[dreg:$0x9] =	wrdreg s17;
	s24 =	sshrl.u32 s17, $0x4  }
0x15: {  	s6 =	sshll.u32 s19, $0x1;
	s17 =	sshll.u32 s7, $0x6;
	s22 =	sadd.s32 s11, s13  }
0x16: {  	s25 =	sshll.u32 s23, $0x8;
	s26 =	sshll.u32 s24, $0x8;
	s5 =	sadd.s32 s15, s6  }
0x17: {  	s14 =	sshll.u32 s24, $0x5;
	s17 =	sor.u32 $0x1C03, s17;
	s24 =	sshrl.u32 s16, $0x3  }
0x18: {  	s6 =	simm.s32 $0x0;
	[dreg:$0xa] =	wrdreg s22;
	s12 =	sadd.s32 s25, s11  }
0x19: {  	s13 =	sadd.s32 s26, s11;
	[dreg:$0xc] =	wrdreg s5;
	s11 =	sshll.u32 s23, $0x5  }
0x1a: {  	s8 =	sadd.s32 s14, s15;
	s22 =	sadd.s32 s9, s1;
	s23 =	sshrl.u32 s18, $0x2  }
.Ltmp0:
0x1b: {  	s25 =	sshrl.u32 s19, $0x3;
	s18 =	sadd.s32 s4, s24;
	(pc) =	sbr.rel .LBB2_1-.Ltmp0, $4  }
0x1c: {  	s26 =	sshrl.u32 s20, $0x3;
	s20 =	sadd.s32 $0xE1800, s0;
	s24 =	simm.s32 $0x3  }
0x1d: {  	s0 =	simm.s32 $0x1;
	s11 =	sadd.s32 s11, s15;
	s5 =	sadd.s32 s23, s2  }
0x1e: {  	s19 =	sadd.s32 s4, s25;
	s10 =	sadd.s32 s26, s4;
	s23 =	sshrl.u32 s22, $0x3  }
0x1f: {  	s26 =	simm.s32 $0xA0;
	s25 =	sshrl.u32 s5, $0x3;
	s5 =	simm.s32 $0x2  }
.LBB2_4:
0x20: {  	_ =	swait.ge [sflag:s0], $0x50  }
0x21: {  	[sflag:s0] =	ssyncset.done $0x0  }
0x22: {  	[sflag:s0] =	ssyncadd.s32 $0xFFFFFFB0  }
0x23: {  	_ =	swait.ge [sflag:s0], $0x500  }
0x24: {  	[sflag:s0] =	ssyncset.done $0x0  }
0x25: {  	[sflag:s0] =	ssyncadd.s32 $0xFFFFFB00  }
0x26: {  	_ =	swait.ge [sflag:s0], $0x2800  }
0x27: {  	[sflag:s0] =	ssyncset.done $0x0  }
0x28: {  	[sflag:s0] =	ssyncadd.s32 $0xFFFFD800  }
0x29: {  	[spmem:s1] =	stream.indirect.scatter.add.f32 [tilespmem:s26], [sflag:$0x3], $0x10, s3, s29, $0xb8;
	[tilespmem:$0x1BA30] =	vst v63  }
0x2a: {  	_ =	swait.ge [sflag:s24], $0x500  }
0x2b: {  	[sflag:s24] =	ssyncset.done $0x0  }
0x2c: {  	[sflag:s24] =	ssyncadd.s32 $0xFFFFFB00  }
0x2d: {  	[spmem:s2] =	stream.indirect.scatter.add.f32 [tilespmem:s28], [sflag:$0x3], $0x80, s3, s29, $0xb8;
	[tilespmem:$0x1BA30] =	vst v63  }
0x2e: {  	_ =	swait.ge [sflag:s24], $0x2800  }
0x2f: {  	[sflag:s24] =	ssyncset.done $0x0  }
0x30: {  	[sflag:s24] =	ssyncadd.s32 $0xFFFFD800  }
0x31: {  	[bflag:$0x0] =	sbarrier.arrive $0xFFFF  }
0x32: {  	s7 =	sshrl.u32 @!p0 s1, $0x3;
	s9 =	rddreg [dreg:$0xb]  }
0x33: {  	[hbm:s9], [sflag:s17] =	dma.local @!p0 [spmem:s7], $0x4E20  }
0x34: {  	s7 =	simm.s32 @!p0 $0x3  }
0x35: {  	s6 =	sadd.s32 $0x1, s6;
	_ =	swait.ge @!p0 [sflag:s7], $0x4E20  }
0x36: {  	p1 =	sne.s32 s6, s21;
	[sflag:s7] =	ssyncset.done @!p0 $0x0  }
.Ltmp1:
0x37: {  	s9 =	sshrl.u32 @!p0 s2, $0x3;
	[sflag:s7] =	ssyncadd.s32 @!p0 $0xFFFFB1E0;
	(pc) =	sbr.rel @!p1 .LBB2_5-.Ltmp1, $4  }
0x38: {  	[hbm:s20], [sflag:s17] =	dma.local @!p0 [spmem:s9], $0x27100  }
0x39: {  	_ =	swait.ge @!p0 [sflag:s7], $0x27100  }
0x3a: {  	[sflag:s7] =	ssyncset.done @!p0 $0x0  }
0x3b: {  	[sflag:s7] =	ssyncadd.s32 @!p0 $0xFFFD8F00  }
.LBB2_1:
0x3c: {  	s7 =	rddreg [dreg:$0x5]  }
0x3d: {  	[spmem:s23], [sflag:s17] =	dma.local [hbm:s7], $0x4E2  }
0x3e: {  	_ =	swait.ge [sflag:s24], $0x4E2  }
0x3f: {  	[sflag:s24] =	ssyncset.done $0x0  }
0x40: {  	s9 =	rddreg [dreg:$0x6];
	[sflag:s24] =	ssyncadd.s32 $0xFFFFFB1E  }
0x41: {  	[spmem:s25], [sflag:s17] =	dma.local [hbm:s9], $0x2710  }
0x42: {  	_ =	swait.ge [sflag:s24], $0x2710  }
0x43: {  	[sflag:s24] =	ssyncset.done $0x0  }
0x44: {  	[sflag:s24] =	ssyncadd.s32 $0xFFFFD8F0  }
0x45: {  	[bflag:$0x0] =	sbarrier.arrive $0xFFFF  }
0x46: {  	[tilespmem:s3], [sflag:$0x1] =	stream.linear.gather [hbm4b:s18+s3], $0x50, $0x38;
	[tilespmem:$0x1BA30] =	vst v63  }
0x47: {  	s14 =	rddreg [dreg:$0x7]  }
0x48: {  	[tilespmem:s26], [sflag:$0x1] =	stream.linear.gather [hbm4b:s14+s3], $0x500, $0x38;
	[tilespmem:$0x1BA30] =	vst v63  }
0x49: {  	s15 =	rddreg [dreg:$0x8]  }
0x4a: {  	[tilespmem:s28], [sflag:$0x1] =	stream.linear.gather [hbm4b:s15+s3], $0x2800, $0x38;
	[tilespmem:$0x1BA30] =	vst v63  }
0x4b: {  	s16 =	rddreg [dreg:$0xc]  }
0x4c: {  	[tilespmem:s29], [sflag:$0x2] =	stream.linear.gather [hbm4b:s19+s3], $0x50, $0x38;
	[tilespmem:$0x1BA30] =	vst v63  }
0x4d: {  	s22 =	rddreg [dreg:$0xa]  }
0x4e: {  	[tilespmem:s30], [sflag:$0x2] =	stream.linear.gather [hbm4b:s16+s3], $0x500, $0x38;
	[tilespmem:$0x1BA30] =	vst v63  }
0x4f: {  	s7 =	simm.s32 $0x0;
	s9 =	rddreg [dreg:$0x9]  }
0x50: {  	[tilespmem:s31], [sflag:$0x2] =	stream.linear.gather [hbm4b:s22+s3], $0x2800, $0x38;
	[tilespmem:$0x1BA30] =	vst v63  }
0x51: {  	s15 =	smov.u32 s11;
	s16 =	smov.u32 s8;
	s22 =	smov.u32 s10  }
.LBB2_2:
0x52: {  	_ =	swait.ge [sflag:s0], $0x50  }
0x53: {  	[sflag:s0] =	ssyncset.done $0x0  }
0x54: {  	[sflag:s0] =	ssyncadd.s32 $0xFFFFFFB0  }
0x55: {  	_ =	swait.ge [sflag:s0], $0x500  }
0x56: {  	[sflag:s0] =	ssyncset.done $0x0  }
0x57: {  	[sflag:s0] =	ssyncadd.s32 $0xFFFFFB00  }
0x58: {  	_ =	swait.ge [sflag:s0], $0x2800  }
0x59: {  	[sflag:s0] =	ssyncset.done $0x0  }
0x5a: {  	[sflag:s0] =	ssyncadd.s32 $0xFFFFD800  }
0x5b: {  	[spmem:s1] =	stream.indirect.scatter.add.f32 [tilespmem:s26], [sflag:$0x3], $0x10, s3, s29, $0xb8;
	[tilespmem:$0x1BA30] =	vst v63  }
0x5c: {  	_ =	swait.ge [sflag:s24], $0x500  }
0x5d: {  	[sflag:s24] =	ssyncset.done $0x0  }
0x5e: {  	[sflag:s24] =	ssyncadd.s32 $0xFFFFFB00  }
0x5f: {  	[spmem:s2] =	stream.indirect.scatter.add.f32 [tilespmem:s28], [sflag:$0x3], $0x80, s3, s29, $0xb8;
	[tilespmem:$0x1BA30] =	vst v63  }
0x60: {  	_ =	swait.ge [sflag:s24], $0x2800  }
0x61: {  	s14 =	sshrl.u32 s9, $0x3;
	[sflag:s24] =	ssyncset.done $0x0  }
0x62: {  	s14 =	sadd.s32 s4, s14;
	[sflag:s24] =	ssyncadd.s32 $0xFFFFD800  }
0x63: {  	[tilespmem:s3], [sflag:$0x1] =	stream.linear.gather [hbm4b:s14+s3], $0x50, $0x38;
	[tilespmem:$0x1BA30] =	vst v63  }
0x64: {  	_ = 	snop  }
0x65: {  	[tilespmem:s26], [sflag:$0x1] =	stream.linear.gather [hbm4b:s16+s3], $0x500, $0x38;
	[tilespmem:$0x1BA30] =	vst v63  }
0x66: {  	s14 =	sadd.s32 s7, s13  }
0x67: {  	[tilespmem:s28], [sflag:$0x1] =	stream.linear.gather [hbm4b:s14+s3], $0x2800, $0x38;
	[tilespmem:$0x1BA30] =	vst v63  }
0x68: {  	_ =	swait.ge [sflag:s5], $0x50  }
0x69: {  	[sflag:s5] =	ssyncset.done $0x0  }
0x6a: {  	[sflag:s5] =	ssyncadd.s32 $0xFFFFFFB0  }
0x6b: {  	_ =	swait.ge [sflag:s5], $0x500  }
0x6c: {  	[sflag:s5] =	ssyncset.done $0x0  }
0x6d: {  	[sflag:s5] =	ssyncadd.s32 $0xFFFFFB00  }
0x6e: {  	_ =	swait.ge [sflag:s5], $0x2800  }
0x6f: {  	[sflag:s5] =	ssyncset.done $0x0  }
0x70: {  	[sflag:s5] =	ssyncadd.s32 $0xFFFFD800  }
0x71: {  	[spmem:s1] =	stream.indirect.scatter.add.f32 [tilespmem:s30], [sflag:$0x3], $0x10, s29, s29, $0xb8;
	[tilespmem:$0x1BA30] =	vst v63  }
0x72: {  	_ =	swait.ge [sflag:s24], $0x500  }
0x73: {  	p1 =	seq.s32 s7, $0x26200;
	[sflag:s24] =	ssyncset.done $0x0  }
.Ltmp2:
0x74: {  	[sflag:s24] =	ssyncadd.s32 $0xFFFFFB00;
	(pc) =	sbr.rel @p1 .LBB2_4-.Ltmp2, $4  }
0x75: {  	[spmem:s2] =	stream.indirect.scatter.add.f32 [tilespmem:s31], [sflag:$0x3], $0x80, s29, s29, $0xb8;
	[tilespmem:$0x1BA30] =	vst v63  }
0x76: {  	_ =	swait.ge [sflag:s24], $0x2800  }
0x77: {  	[sflag:s24] =	ssyncset.done $0x0  }
0x78: {  	[sflag:s24] =	ssyncadd.s32 $0xFFFFD800  }
0x79: {  	[tilespmem:s29], [sflag:$0x2] =	stream.linear.gather [hbm4b:s22+s3], $0x50, $0x38;
	[tilespmem:$0x1BA30] =	vst v63  }
.Ltmp3:
0x7a: {  	_ = 	snop;
	(pc) =	sbr.rel .LBB2_2-.Ltmp3, $4  }
0x7b: {  	s14 =	sadd.s32 s7, s12;
	s7 =	sadd.s32 $0xA00, s7;
	s22 =	sadd.s32 $0x14, s22  }
0x7c: {  	[tilespmem:s30], [sflag:$0x2] =	stream.linear.gather [hbm4b:s15+s3], $0x500, $0x38;
	[tilespmem:$0x1BA30] =	vst v63  }
0x7d: {  	s16 =	sadd.s32 $0x140, s16;
	s9 =	sadd.s32 $0xA0, s9;
	s15 =	sadd.s32 $0x140, s15  }
0x7e: {  	[tilespmem:s31], [sflag:$0x2] =	stream.linear.gather [hbm4b:s14+s3], $0x2800, $0x38;
	[tilespmem:$0x1BA30] =	vst v63  }
.LBB2_5:
0x7f: {  	_ =	sfence.sel $0x180000  }
0x80: {  	[bflag:$0x0] =	sbarrier.arrive $0xFFFF  }
0x81: {  	_ =	strace $0x9000004A  }
0x82: {  	[bflag:$0x2] =	sbarrier.arrive $0xFFFF  }
0x83: {  	s0 =	rddreg [dreg:$0x4]  }
0x84: {  	s0 =	sadd.s32 @!p0 $0x100000, s0  }
0x85: {  	[sflag:s0] =	ssyncadd.tile.s32 @!p0 $0x1;
	_ =	shalt  }
.Lfunc_end2:
_tile_overlayer_lowered:
.L_overlay_start_2:
0x86: {  	(tag) =	ssettag $0x2  }
0x87: {  	s0 =	rddreg [dreg:$0x0];
	s2 =	stileid.u32  }
0x88: {  	s1 =	rddreg [dreg:$0x1];
	p0 =	sne.s32 s2, $0x0  }
0x89: {  	s3 =	rddreg [dreg:$0x2];
	[bflag:$0x3] =	sbarrier.arrive $0xFFFF;
	s2 =	simm.s32 @!p0 $0x1C03  }
0x8a: {  	[timem:s3], [sflag:s2] =	dma.local @!p0 [hbm:s0], s1  }
0x8b: {  	s0 =	simm.s32 @!p0 $0x3  }
0x8c: {  	_ =	swait.ge @!p0 [sflag:s0], s1  }
0x8d: {  	s1 =	ssub.s32 @!p0 $0x0, s1;
	[sflag:s0] =	ssyncset.done @!p0 $0x0  }
0x8e: {  	[sflag:s0] =	ssyncadd.s32 @!p0 s1  }
0x8f: {  	[bflag:$0x3] =	sbarrier.arrive $0xFFFF  }
0x90: {  	_ =	shalt  }

// kernel: kernel.9.cloned.1.call-start
scs
__scs_entry_jumppad:
0x0: {  	(pc) =	sbr.rel $0x88, $3  }
0x1: {  	(tag) =	ssettag $0x0;
	lr =	simm.s32 $0x1  }
0x2: {  	[smem:$0x3F8E] =	sst lr;
	_ =	strace $0xD0000000  }
0x3: {  	_ = 	snop  }
0x4: {  	_ = 	snop  }
0x5: {  	_ = 	snop  }
0x6: {  	_ = 	snop  }
0x7: {  	_ = 	snop  }
__scs_overlays_trampoline_lowered:
0x8: {  	[smem:$0x3F9D] =	sst s0  }
0x9: {  	[smem:$0x3F9E] =	sst s1  }
0xa: {  	[smem:$0x3F9F] =	sst s2  }
0xb: {  	[smem:$0x3FA0] =	sst s3  }
0xc: {  	[smem:$0x3FA1] =	sst s4  }
0xd: {  	[smem:$0x3FA2] =	sst s5  }
0xe: {  	[smem:$0x3FA3] =	sst s6  }
0xf: {  	[smem:$0x3FA4] =	sst s7  }
0x10: {  	[smem:$0x3FA5] =	sst s8  }
0x11: {  	[smem:$0x3FA6] =	sst s9;
	s0 =	simm.s32 @!p0 $0x0  }
0x12: {  	s1 =	sld [smem:$0x3F8C];
	s0 =	simm.s32 @p0 $0x1  }
0x13: {  	[smem:$0x3FA7] =	sst s0;
	s0 =	simm.s32 @!p1 $0x0  }
0x14: {  	s2 =	sld [smem:$0x3F8B];
	s0 =	simm.s32 @p1 $0x1  }
0x15: {  	[smem:$0x3FA8] =	sst s0;
	s0 =	simm.s32 @!p2 $0x0  }
0x16: {  	s3 =	sld [smem:$0x3FDB];
	s0 =	simm.s32 @p2 $0x1  }
0x17: {  	s4 =	simm.s32 $0x1BF5;
	[smem:$0x3FAA] =	sst s0  }
0x18: {  	s0 =	sld [smem:$0x3F8D];
	_ =	swait.ge [sflag:s4], $0x0  }
0x19: {  	s7 =	sld [smem:$0x3F8E]  }
0x1a: {  	s8 =	sadd.s32 $0xFFFFE003, lr  }
0x1b: {  	s9 =	sadd.s32 $0xFFFFFEF7, lr;
	s5 =	simm.s32 $0xFFFFFFFF;
	p2 =	slt.u32 s8, $0xFFFFF086  }
0x1c: {  	p1 =	slt.u32 s9, $0xF7A;
	s5 =	simm.s32 @!p2 $0x0  }
0x1d: {  	s5 =	simm.s32 @p1 $0x1;
	p0 =	seq.s32 s7, s2  }
0x1e: {  	s7 =	smul.u32 @!p0 $0xF7A, s2;
	p2 =	seq.s32 @!p0 s5, $0x0  }
0x1f: {  	s9 =	smul.u32 $0xF7A, s1;
	s8 =	simm.s32 @!p0 $0x1BF5;
	p2 =	por !p2, p0  }
0x20: {  	[sflag:s8] =	ssyncset.s32 @!p0 $0xFFFFF086;
	s6 =	sadd.s32 @!p0 s3, s7;
	s7 =	simm.s32 @!p0 $0x108  }
0x21: {  	s3 =	sadd.s32 s3, s9;
	s6 =	sadd.s32 @!p0 $0x88, s6;
	s7 =	simm.s32 @p2 $0x1082  }
0x22: {  	[simem:s7], [sflag:s8] =	dma.local @!p0 [hbm:s6], $0xF7A  }
0x23: {  	s9 =	sor.u32 $0xD0000000, s2;
	s6 =	simm.s32 $0x108;
	_ =	swait.ge @!p0 [sflag:s8], $0x0  }
0x24: {  	s3 =	sadd.s32 $0x88, s3;
	s6 =	simm.s32 @!p1 $0x1082;
	[sflag:s4] =	ssyncset.s32 $0xFFFFF086  }
0x25: {  	[simem:s6], [sflag:s4] =	dma.local [hbm:s3], $0xF7A  }
0x26: {  	[smem:$0x3F8E] =	sst s1;
	(tag) =	ssettag s2;
	_ =	strace s9  }
0x27: {  	s1 =	sld [smem:$0x3F9E]  }
0x28: {  	s2 =	sld [smem:$0x3F9F]  }
0x29: {  	s4 =	sld [smem:$0x3FA1]  }
0x2a: {  	p0 =	seq.s32 s5, $0x0;
	s5 =	sld [smem:$0x3FA2]  }
0x2b: {  	s6 =	sld [smem:$0x3FA3]  }
0x2c: {  	s7 =	sld [smem:$0x3FA4]  }
0x2d: {  	s3 =	simm.s32 $0x108;
	s8 =	sld [smem:$0x3FA5]  }
0x2e: {  	s3 =	simm.s32 @!p0 $0x1082;
	s9 =	sld [smem:$0x3FA6]  }
0x2f: {  	lr =	sadd.s32 s0, s3;
	s0 =	sld [smem:$0x3F9D]  }
0x30: {  	s3 =	sld [smem:$0x3FA0]  }
0x31: {  	[smem:$0x3FA9] =	sst s10  }
0x32: {  	s10 =	sld [smem:$0x3FA7];
	_ =	sdelay $0x3  }
0x33: {  	p0 =	seq.s32 s10, $0x1;
	s10 =	sld [smem:$0x3FA9];
	_ =	sdelay $0x3  }
0x34: {  	[smem:$0x3FA9] =	sst s10  }
0x35: {  	s10 =	sld [smem:$0x3FA8];
	_ =	sdelay $0x3  }
0x36: {  	p1 =	seq.s32 s10, $0x1;
	s10 =	sld [smem:$0x3FA9];
	_ =	sdelay $0x3  }
0x37: {  	[smem:$0x3FA9] =	sst s10  }
0x38: {  	s10 =	sld [smem:$0x3FAA]  }
0x39: {  	_ = 	snop;
	(pc) =	sbr.ind lr, $3  }
0x3a: {  	_ = 	snop  }
0x3b: {  	_ = 	snop  }
0x3c: {  	p2 =	seq.s32 s10, $0x1;
	s10 =	sld [smem:$0x3FA9]  }
0x3d: {  	_ =	shalt  }
0x3e: {  	_ =	shalt  }
0x3f: {  	_ =	shalt  }
0x40: {  	_ =	shalt  }
0x41: {  	_ =	shalt  }
0x42: {  	_ =	shalt  }
0x43: {  	_ =	shalt  }
0x44: {  	_ =	shalt  }
0x45: {  	_ =	shalt  }
0x46: {  	_ =	shalt  }
0x47: {  	_ =	shalt  }
0x48: {  	_ =	shalt  }
0x49: {  	_ =	shalt  }
0x4a: {  	_ =	shalt  }
0x4b: {  	_ =	shalt  }
0x4c: {  	_ =	shalt  }
0x4d: {  	_ =	shalt  }
0x4e: {  	_ =	shalt  }
0x4f: {  	_ =	shalt  }
0x50: {  	_ =	shalt  }
0x51: {  	_ =	shalt  }
0x52: {  	_ =	shalt  }
0x53: {  	_ =	shalt  }
0x54: {  	_ =	shalt  }
0x55: {  	_ =	shalt  }
0x56: {  	_ =	shalt  }
0x57: {  	_ =	shalt  }
0x58: {  	_ =	shalt  }
0x59: {  	_ =	shalt  }
0x5a: {  	_ =	shalt  }
0x5b: {  	_ =	shalt  }
0x5c: {  	_ =	shalt  }
0x5d: {  	_ =	shalt  }
0x5e: {  	_ =	shalt  }
0x5f: {  	_ =	shalt  }
0x60: {  	_ =	shalt  }
0x61: {  	_ =	shalt  }
0x62: {  	_ =	shalt  }
0x63: {  	_ =	shalt  }
0x64: {  	_ =	shalt  }
0x65: {  	_ =	shalt  }
0x66: {  	_ =	shalt  }
0x67: {  	_ =	shalt  }
0x68: {  	_ =	shalt  }
0x69: {  	_ =	shalt  }
0x6a: {  	_ =	shalt  }
0x6b: {  	_ =	shalt  }
0x6c: {  	_ =	shalt  }
0x6d: {  	_ =	shalt  }
0x6e: {  	_ =	shalt  }
0x6f: {  	_ =	shalt  }
0x70: {  	_ =	shalt  }
0x71: {  	_ =	shalt  }
0x72: {  	_ =	shalt  }
0x73: {  	_ =	shalt  }
0x74: {  	_ =	shalt  }
0x75: {  	_ =	shalt  }
0x76: {  	_ =	shalt  }
0x77: {  	_ =	shalt  }
0x78: {  	_ =	shalt  }
0x79: {  	_ =	shalt  }
0x7a: {  	_ =	shalt  }
0x7b: {  	_ =	shalt  }
0x7c: {  	_ =	shalt  }
0x7d: {  	_ =	shalt  }
0x7e: {  	_ =	shalt  }
0x7f: {  	_ =	shalt  }
0x80: {  	_ =	shalt  }
0x81: {  	_ =	shalt  }
0x82: {  	_ =	shalt  }
0x83: {  	_ =	shalt  }
0x84: {  	_ =	shalt  }
0x85: {  	_ =	shalt  }
0x86: {  	_ =	shalt  }
0x87: {  	_ =	shalt  }
.Lfunc_end0:
.L_simem_size_0:
called_computation_lowered:
.L_overlay_start_0:
0x88: {  	s2 =	sld [smem:$0x3FD9]  }
0x89: {  	s3 =	sld [smem:$0x3FFE];
	_ =	sdelay $0x1  }
0x8a: {  	s1 =	srdreg.scid  }
0x8b: {  	s0 =	sand.u32 $0x1, s1  }
0x8c: {  	s14 =	sshll.u32 s0, $0xA;
	s2 =	sadd.s32 s3, s2  }
0x8d: {  	s2 =	sadd.s32 s2, s14  }
0x8e: {  	[smem:$0x3FB5] =	sst s2  }
0x8f: {  	_ = 	snop  }
0x90: {  	s2 =	sld [smem:$0x3FD0];
	_ =	sdelay $0x2  }
0x91: {  	s15 =	simm.s32 $0xA;
	s4 =	simm.s32 $0x10  }
0x92: {  	[smem:s4], [sflag:s15] =	dma.local [hbm:s2], $0x1  }
0x93: {  	_ =	swait.eq [sflag:s15], $0x1  }
0x94: {  	[sflag:s15] =	ssyncset.done $0x0  }
0x95: {  	[sflag:s15] =	ssyncadd.s32 $0xFFFFFFFF  }
0x96: {  	s16 =	sld [smem:$0x10];
	(tm) =	ssettm $0x1  }
0x97: {  	s17 =	sld [smem:$0x3FFB];
	_ =	sdelay $0x3  }
0x98: {  	_ =	strace s17  }
0x99: {  	s3 =	sld [smem:$0x3FFC];
	_ =	sdelay $0x3  }
0x9a: {  	_ =	strace s3  }
0x9b: {  	s3 =	sld [smem:$0x3FFD];
	_ =	sdelay $0x3  }
0x9c: {  	_ =	strace s3  }
0x9d: {  	_ =	strace $0x8FFFFFFF  }
0x9e: {  	s18 =	sld [smem:$0x3FDB];
	_ =	sdelay $0x1  }
0x9f: {  	s19 =	simm.s32 $_scs_section_size  }
0xa0: {  	s5 =	simm.s32 $_size__tile_overlayer_lowered;
	s6 =	simm.s32 $_tile_overlayer_lowered  }
0xa1: {  	s22 =	simm.s32 $0x1BFF;
	s21 =	sshll.u32 s6, $0x1;
	s3 =	sadd.s32 s19, s18  }
0xa2: {  	s7 =	simm.s32 $0x0;
	s20 =	sshll.u32 s5, $0x1;
	s5 =	sadd.s32 s21, s3  }
0xa3: {  	[timem:s7], [sflag:s22] =	dma.local [hbm:s5], s20  }
0xa4: {  	_ =	swait.ge [sflag:s22], s20  }
0xa5: {  	s4 =	ssub.s32 $0x0, s20;
	[sflag:s22] =	ssyncset.done $0x0  }
0xa6: {  	[sflag:s22] =	ssyncadd.s32 s4;
	_ =	sdelay $0x1  }
0xa7: {  	s23 =	simm.s32 $0x1B8B  }
0xa8: {  	_ =	swait.ge [sflag:s23], $0x1  }
0xa9: {  	[sflag:s23] =	ssyncset.done $0x0  }
0xaa: {  	s25 =	simm.s32 $0x1B8E;
	s24 =	sld [smem:$0x3FFE];
	[sflag:s23] =	ssyncadd.s32 $0xFFFFFFFF  }
0xab: {  	s26 =	simm.s32 $execute0_lowered;
	[smem:$0x3FD2] =	sst s25  }
0xac: {  	s5 =	sshll.u32 s26, $0x1;
	_ =	strace $0x80000046;
	[dreg:$0x1] =	wrdreg $0xFFFFFFFF  }
0xad: {  	s28 =	simm.s32 $_size_execute0_lowered;
	s3 =	sadd.s32 s3, s5;
	[dreg:$0x0] =	wrdreg $0x0  }
0xae: {  	s5 =	sshll.u32 s28, $0x1;
	[dreg:$0x2] =	wrdreg s3  }
0xaf: {  	[dreg:$0x3] =	wrdreg s5  }
0xb0: {  	[dreg:$0x4] =	wrdreg $0xC0  }
0xb1: {  	_ =	task [dreg:s7], $0x5FFFF  }
0xb2: {  	[dreg:$0x1] =	wrdreg $0xFFFFFFFF  }
0xb3: {  	[dreg:$0x0] =	wrdreg $0x60  }
0xb4: {  	[dreg:$0x2] =	wrdreg s24  }
0xb5: {  	[dreg:$0x3] =	wrdreg s16  }
0xb6: {  	[dreg:$0x4] =	wrdreg $0x9  }
0xb7: {  	_ =	task.clear_ibuf [dreg:s7], $0x5FFFF;
	_ =	strace $0x90000046  }
0xb8: {  	s29 =	simm.s32 $0x9;
	_ =	strace $0x80000048  }
0xb9: {  	_ =	swait.ge [sflag:s29], $0x1  }
0xba: {  	[sflag:s29] =	ssyncadd.s32 $0xFFFFFFFF  }
0xbb: {  	_ =	strace $0x90000048  }
0xbc: {  	_ =	sfence  }
0xbd: {  	s30 =	sld [smem:$0x0];
	_ =	sdelay $0x2  }
0xbe: {  	s31 =	sshll.u32 s1, $0xD;
	s1 =	sshrl.u32 s1, $0x2  }
0xbf: {  	s3 =	sand.u32 $0x4000, s31;
	s1 =	sadd.s32 s1, s30  }
0xc0: {  	s0 =	sor.u32 s3, s0;
	s1 =	sshll.u32 s1, $0x11  }
0xc1: {  	s0 =	sor.u32 s1, s0  }
0xc2: {  	s0 =	sadd.s32 $0x8F2B, s0  }
0xc3: {  	[sflag:s0] =	ssyncadd.remote.s32 $0x1  }
0xc4: {  	_ =	sfence.sel $0xFFFF  }
0xc5: {  	[dreg:$0x0] =	wrdreg $0xFFFFFFFF;
	(pc) =	sbr.abs _section_cstart, $3  }
0xc6: {  	[dreg:$0x1] =	wrdreg $0xFFFFFFFF  }
0xc7: {  	_ =	task.clear_ibuf [dreg:s7], $0x2FFFF;
	_ =	strace $0x9FFFFFFF  }
0xc8: {  	(tm) =	ssettm $0x7FFFFFFF  }
0xc9: {  	_ =	shalt  }
tec
execute0_lowered:
.L_overlay_start_1:
0x0: {  	(tag) =	ssettag $0x1  }
0x1: {  	s0 =	rddreg [dreg:$0x0]  }
0x2: {  	s2 =	rddreg [dreg:$0x1];
	s3 =	simm.s32 $0x0;
	s1 =	srdreg.scid  }
0x3: {  	s4 =	stileid.u32;
	s19 =	simm.s32 $0x6;
	s28 =	simm.s32 $0x640  }
0x4: {  	s29 =	simm.s32 $0x1040;
	s30 =	simm.s32 $0x3D40;
	s31 =	simm.s32 $0x2  }
0x5: {  	[smem:$0x7FF] =	sst s3;
	s1 =	sand.u32 $0x1, s1;
	s4 =	sshll.u32 s4, $0x1  }
0x6: {  	s5 =	sadd.s32 $0x3B600, s0;
	s7 =	sadd.s32 $0x27800, s0;
	s8 =	sadd.s32 $0x2C800, s0  }
0x7: {  	s9 =	sadd.s32 $0x45400, s0;
	s6 =	sor.u32 s1, s4;
	s1 =	ssub.s32 $0x2, s1  }
0x8: {  	s10 =	sadd.s32 $0xE1800, s0;
	s6 =	smul.u32 $0x2710, s6;
	s11 =	sshrl.u32 s1, $0x1  }
0x9: {  	_ =	strace $0x80000047;
	s4 =	sadd.s32 $0x31800, s0;
	s20 =	ssub.s32 s1, s11  }
0xa: {  	s12 =	sshrl.u32 s6, $0x3;
	s24 =	sadd.s32 $0x26C0, s6;
	s15 =	sadd.s32 $0xA0, s6  }
0xb: {  	s0 =	smax.u32 s20, $0x1;
	s20 =	simm.s32 $0xA0;
	s21 =	sadd.s32 s4, s12  }
0xc: {  	s22 =	sadd.s32 s5, s12;
	s23 =	sadd.s32 $0xA, s12;
	[dreg:$0x9] =	wrdreg s0  }
0xd: {  	s25 =	sshll.u32 s24, $0x1;
	s26 =	sshll.u32 s24, $0x4;
	[dreg:$0x3] =	wrdreg s21  }
0xe: {  	s24 =	simm.s32 $0x1540;
	s0 =	simm.s32 $0x4;
	[dreg:$0x4] =	wrdreg s22  }
0xf: {  	s12 =	sadd.s32 s4, s23;
	s1 =	sadd.s32 s5, s23;
	s21 =	simm.s32 $0x50  }
0x10: {  	s22 =	simm.s32 $0x140;
	s23 =	simm.s32 $0xB40;
	[dreg:$0x5] =	wrdreg s12  }
0x11: {  	[dreg:$0x6] =	wrdreg s1;
	s1 =	sadd.s32 s9, s25;
	s25 =	simm.s32 $0xF0  }
0x12: {  	s12 =	simm.s32 $0x0;
	[dreg:$0x7] =	wrdreg s1;
	s1 =	sadd.s32 s10, s26  }
0x13: {  	s26 =	simm.s32 $0x1;
	[dreg:$0x8] =	wrdreg s1;
	s1 =	simm.s32 $0x3  }
.LBB2_1:
0x14: {  	s11 =	rddreg [dreg:$0x3]  }
0x15: {  	[tilespmem:s3], [sflag:$0x6] =	stream.linear.gather [hbm4b:s11+s3], $0x50, $0x38;
	[tilespmem:$0x6540] =	vst v63  }
0x16: {  	_ =	swait.ge [sflag:s19], $0x50  }
0x17: {  	[sflag:s19] =	ssyncset.done $0x0  }
0x18: {  	s16 =	rddreg [dreg:$0x4];
	[sflag:s19] =	ssyncadd.s32 $0xFFFFFFB0  }
0x19: {  	[tilespmem:s20], [sflag:$0x6] =	stream.linear.gather [hbm4b:s16+s3], $0x50, $0x38;
	[tilespmem:$0x6540] =	vst v63  }
0x1a: {  	_ =	swait.ge [sflag:s19], $0x50  }
0x1b: {  	[sflag:s19] =	ssyncset.done $0x0  }
0x1c: {  	[sflag:s19] =	ssyncadd.s32 $0xFFFFFFB0  }
0x1d: {  	[tilespmem:s22], [sflag:$0x2] =	stream.indirect.gather [hbm4b:s7+s21], $0x10, s3, s21, $0xb8;
	[tilespmem:$0x6540] =	vst v63  }
0x1e: {  	_ = 	snop  }
0x1f: {  	[tilespmem:s23], [sflag:$0x2] =	stream.indirect.gather [hbm4b:s8+s21], $0x10, s20, s21, $0xb8;
	[tilespmem:$0x6540] =	vst v63  }
0x20: {  	_ = 	snop  }
0x21: {  	[tilespmem:s24], [sflag:$0x2] =	stream.indirect.gather [hbm4b:s2+s21], $0x80, s3, s21, $0xb8;
	[tilespmem:$0x6540] =	vst v63  }
0x22: {  	s17 =	rddreg [dreg:$0x5]  }
0x23: {  	[tilespmem:s21], [sflag:$0x1] =	stream.linear.gather [hbm4b:s17+s3], $0x50, $0x38;
	[tilespmem:$0x6540] =	vst v63  }
0x24: {  	s13 =	simm.s32 $0x0;
	s18 =	rddreg [dreg:$0x6]  }
0x25: {  	[tilespmem:s25], [sflag:$0x1] =	stream.linear.gather [hbm4b:s18+s3], $0x50, $0x38;
	[tilespmem:$0x6540] =	vst v63  }
.LBB2_2:
0x26: {  	_ =	swait.ge [sflag:s26], $0x50  }
0x27: {  	[sflag:s26] =	ssyncset.done $0x0  }
0x28: {  	[sflag:s26] =	ssyncadd.s32 $0xFFFFFFB0  }
0x29: {  	_ =	swait.ge [sflag:s26], $0x50  }
0x2a: {  	p0 =	seq.s32 s13, $0x0;
	[sflag:s26] =	ssyncset.done $0x0  }
0x2b: {  	s14 =	simm.s32 @!p0 $0x5;
	[sflag:s26] =	ssyncadd.s32 $0xFFFFFFB0  }
0x2c: {  	_ =	swait.ge @!p0 [sflag:s14], $0x500  }
0x2d: {  	[sflag:s14] =	ssyncset.done @!p0 $0x0  }
0x2e: {  	[sflag:s14] =	ssyncadd.s32 @!p0 $0xFFFFFB00  }
0x2f: {  	_ =	swait.ge @!p0 [sflag:s14], $0x2800  }
0x30: {  	[sflag:s14] =	ssyncset.done @!p0 $0x0  }
0x31: {  	[sflag:s14] =	ssyncadd.s32 @!p0 $0xFFFFD800  }
0x32: {  	[tilespmem:s28], [sflag:$0x3] =	stream.indirect.gather [hbm4b:s7+s21], $0x10, s21, s21, $0xb8;
	[tilespmem:$0x6540] =	vst v63  }
0x33: {  	_ = 	snop  }
0x34: {  	[tilespmem:s29], [sflag:$0x3] =	stream.indirect.gather [hbm4b:s8+s21], $0x10, s25, s21, $0xb8;
	[tilespmem:$0x6540] =	vst v63  }
0x35: {  	_ = 	snop  }
0x36: {  	[tilespmem:s30], [sflag:$0x3] =	stream.indirect.gather [hbm4b:s2+s21], $0x80, s21, s21, $0xb8;
	[tilespmem:$0x6540] =	vst v63  }
0x37: {  	_ =	swait.ge [sflag:s31], $0x500  }
0x38: {  	[sflag:s31] =	ssyncset.done $0x0  }
0x39: {  	[sflag:s31] =	ssyncadd.s32 $0xFFFFFB00  }
0x3a: {  	_ =	swait.ge [sflag:s31], $0x500  }
0x3b: {  	[sflag:s31] =	ssyncset.done $0x0  }
0x3c: {  	[sflag:s31] =	ssyncadd.s32 $0xFFFFFB00  }
0x3d: {  	_ =	swait.ge [sflag:s31], $0x2800  }
0x3e: {  	[sflag:s31] =	ssyncset.done $0x0  }
0x3f: {  	s16 =	simm.s32 $0x0;
	[sflag:s31] =	ssyncadd.s32 $0xFFFFD800  }
0x40: {  	s17 =	simm.s32 $0x40;
	s14 =	smul.u32 $0xA0, s13;
	v0 =	vld [tilespmem:s16+$0xB40]  }
.LBB2_3:
0x41: {  	p0 =	sne.s32 s17, $0x13C0;
	v1 =	vld [tilespmem:s16+$0x140];
	_ =	sdelay $0x2  }
.Ltmp0:
0x42: {  	(pc) =	sbr.rel @p0 .LBB2_3-.Ltmp0, $4  }
0x43: {  	_ = 	snop  }
0x44: {  	v1 =	vadd.f32 v0, v1  }
0x45: {  	s18 =	sshra.s32 s17, $0x2  }
0x46: {  	s17 =	sadd.s32 $0x40, s17;
	v0 =	vld [tilespmem:s18+$0xB40];
	[tilespmem:s16+$0x140] =	vst v1;
	s16 =	smov.u32 s18  }
0x47: {  	v1 =	vld [tilespmem:s16+$0x140];
	_ =	sdelay $0x4  }
0x48: {  	s17 =	sadd.s32 s6, s14;
	v0 =	vadd.f32 v0, v1  }
0x49: {  	s18 =	sshll.u32 s17, $0x1  }
0x4a: {  	s17 =	sshll.u32 s17, $0x4;
	s11 =	sadd.s32 s9, s18;
	s18 =	simm.s32 $0x0;
	[tilespmem:s16+$0x140] =	vst v0  }
0x4b: {  	[hbm4b:s11+s18] =	stream.linear.scatter [tilespmem:s22], [sflag:$0x4], $0x500, $0x38;
	[tilespmem:$0x6540] =	vst v63  }
0x4c: {  	s16 =	sadd.s32 s10, s17  }
0x4d: {  	[hbm4b:s16+s18] =	stream.linear.scatter [tilespmem:s24], [sflag:$0x4], $0x2800, $0x38;
	[tilespmem:$0x6540] =	vst v63  }
0x4e: {  	s16 =	sadd.s32 s14, s15  }
0x4f: {  	s14 =	sshrl.u32 s16, $0x3  }
0x50: {  	s11 =	sadd.s32 s4, s14  }
0x51: {  	[tilespmem:s18], [sflag:$0x1] =	stream.linear.gather [hbm4b:s11+s18], $0x50, $0x38;
	[tilespmem:$0x6540] =	vst v63  }
0x52: {  	s11 =	sadd.s32 s5, s14  }
0x53: {  	[tilespmem:s20], [sflag:$0x1] =	stream.linear.gather [hbm4b:s11+s18], $0x50, $0x38;
	[tilespmem:$0x6540] =	vst v63  }
0x54: {  	_ =	swait.ge [sflag:s26], $0x50  }
0x55: {  	[sflag:s26] =	ssyncset.done $0x0  }
0x56: {  	[sflag:s26] =	ssyncadd.s32 $0xFFFFFFB0  }
0x57: {  	_ =	swait.ge [sflag:s26], $0x50  }
0x58: {  	[sflag:s26] =	ssyncset.done $0x0  }
0x59: {  	[sflag:s26] =	ssyncadd.s32 $0xFFFFFFB0  }
0x5a: {  	_ =	swait.ge [sflag:s0], $0x500  }
0x5b: {  	[sflag:s0] =	ssyncset.done $0x0  }
0x5c: {  	[sflag:s0] =	ssyncadd.s32 $0xFFFFFB00  }
0x5d: {  	_ =	swait.ge [sflag:s0], $0x2800  }
0x5e: {  	[sflag:s0] =	ssyncset.done $0x0  }
0x5f: {  	[sflag:s0] =	ssyncadd.s32 $0xFFFFD800  }
0x60: {  	[tilespmem:s22], [sflag:$0x2] =	stream.indirect.gather [hbm4b:s7+s21], $0x10, s18, s21, $0xb8;
	[tilespmem:$0x6540] =	vst v63  }
0x61: {  	_ = 	snop  }
0x62: {  	[tilespmem:s23], [sflag:$0x2] =	stream.indirect.gather [hbm4b:s8+s21], $0x10, s20, s21, $0xb8;
	[tilespmem:$0x6540] =	vst v63  }
0x63: {  	_ = 	snop  }
0x64: {  	[tilespmem:s24], [sflag:$0x2] =	stream.indirect.gather [hbm4b:s2+s21], $0x80, s18, s21, $0xb8;
	[tilespmem:$0x6540] =	vst v63  }
0x65: {  	_ =	swait.ge [sflag:s1], $0x500  }
0x66: {  	[sflag:s1] =	ssyncset.done $0x0  }
0x67: {  	[sflag:s1] =	ssyncadd.s32 $0xFFFFFB00  }
0x68: {  	_ =	swait.ge [sflag:s1], $0x500  }
0x69: {  	[sflag:s1] =	ssyncset.done $0x0  }
0x6a: {  	[sflag:s1] =	ssyncadd.s32 $0xFFFFFB00  }
0x6b: {  	_ =	swait.ge [sflag:s1], $0x2800  }
0x6c: {  	[sflag:s1] =	ssyncset.done $0x0  }
0x6d: {  	s17 =	simm.s32 $0x0;
	[sflag:s1] =	ssyncadd.s32 $0xFFFFD800  }
0x6e: {  	s18 =	simm.s32 $0x40;
	v0 =	vld [tilespmem:s17+$0x1040]  }
.LBB2_5:
0x6f: {  	p0 =	sne.s32 s18, $0x13C0;
	v1 =	vld [tilespmem:s17+$0x640];
	_ =	sdelay $0x2  }
.Ltmp1:
0x70: {  	(pc) =	sbr.rel @p0 .LBB2_5-.Ltmp1, $4  }
0x71: {  	_ = 	snop  }
0x72: {  	v1 =	vadd.f32 v0, v1  }
0x73: {  	s11 =	sshra.s32 s18, $0x2  }
0x74: {  	s18 =	sadd.s32 $0x40, s18;
	v0 =	vld [tilespmem:s11+$0x1040];
	[tilespmem:s17+$0x640] =	vst v1;
	s17 =	smov.u32 s11  }
0x75: {  	v1 =	vld [tilespmem:s17+$0x640];
	_ =	sdelay $0x3  }
0x76: {  	s11 =	sadd.s32 $0xFFFFFFB0, s16  }
0x77: {  	p0 =	seq.s32 s13, $0x3D;
	s16 =	sshll.u32 s11, $0x1;
	v0 =	vadd.f32 v0, v1  }
.Ltmp2:
0x78: {  	s11 =	sshll.u32 s11, $0x4;
	s16 =	sand.u32 $0x1FFFFFE0, s16;
	(pc) =	sbr.rel @p0 .LBB2_8-.Ltmp2, $4  }
0x79: {  	s11 =	sand.u32 $0x1FFFFF00, s11;
	s16 =	sadd.s32 s9, s16;
	[tilespmem:s17+$0x640] =	vst v0  }
0x7a: {  	[hbm4b:s16+s3] =	stream.linear.scatter [tilespmem:s28], [sflag:$0x5], $0x500, $0x38;
	[tilespmem:$0x6540] =	vst v63  }
0x7b: {  	s11 =	sadd.s32 s10, s11  }
0x7c: {  	[hbm4b:s11+s3] =	stream.linear.scatter [tilespmem:s30], [sflag:$0x5], $0x2800, $0x38;
	[tilespmem:$0x6540] =	vst v63  }
.Ltmp3:
0x7d: {  	s11 =	sadd.s32 $0xA, s14;
	(pc) =	sbr.rel .LBB2_2-.Ltmp3, $4  }
0x7e: {  	s14 =	sadd.s32 s4, s11  }
0x7f: {  	[tilespmem:s21], [sflag:$0x1] =	stream.linear.gather [hbm4b:s14+s3], $0x50, $0x38;
	[tilespmem:$0x6540] =	vst v63  }
0x80: {  	s13 =	sadd.s32 $0x1, s13;
	s11 =	sadd.s32 s5, s11  }
0x81: {  	[tilespmem:s25], [sflag:$0x1] =	stream.linear.gather [hbm4b:s11+s3], $0x50, $0x38;
	[tilespmem:$0x6540] =	vst v63  }
.LBB2_8:
0x82: {  	_ =	swait.ge [sflag:s31], $0x500  }
0x83: {  	[sflag:s31] =	ssyncset.done $0x0  }
0x84: {  	[sflag:s31] =	ssyncadd.s32 $0xFFFFFB00  }
0x85: {  	_ =	swait.ge [sflag:s31], $0x500  }
0x86: {  	[sflag:s31] =	ssyncset.done $0x0  }
0x87: {  	[sflag:s31] =	ssyncadd.s32 $0xFFFFFB00  }
0x88: {  	_ =	swait.ge [sflag:s31], $0x2800  }
0x89: {  	[sflag:s31] =	ssyncset.done $0x0  }
0x8a: {  	s13 =	simm.s32 $0x0;
	[sflag:s31] =	ssyncadd.s32 $0xFFFFD800  }
0x8b: {  	s14 =	simm.s32 $0x40;
	v0 =	vld [tilespmem:s13+$0xB40]  }
.LBB2_9:
0x8c: {  	p0 =	sne.s32 s14, $0x13C0;
	v1 =	vld [tilespmem:s13+$0x140];
	_ =	sdelay $0x2  }
.Ltmp4:
0x8d: {  	(pc) =	sbr.rel @p0 .LBB2_9-.Ltmp4, $4  }
0x8e: {  	_ = 	snop  }
0x8f: {  	v1 =	vadd.f32 v0, v1  }
0x90: {  	s11 =	sshra.s32 s14, $0x2  }
0x91: {  	s14 =	sadd.s32 $0x40, s14;
	v0 =	vld [tilespmem:s11+$0xB40];
	[tilespmem:s13+$0x140] =	vst v1;
	s13 =	smov.u32 s11  }
0x92: {  	v1 =	vld [tilespmem:s13+$0x140];
	_ =	sdelay $0x4  }
0x93: {  	v0 =	vadd.f32 v0, v1;
	_ =	sdelay $0x1  }
0x94: {  	s11 =	rddreg [dreg:$0x7];
	[tilespmem:s13+$0x140] =	vst v0  }
0x95: {  	[hbm4b:s11+s3] =	stream.linear.scatter [tilespmem:s22], [sflag:$0x6], $0x500, $0x38;
	[tilespmem:$0x6540] =	vst v63  }
0x96: {  	_ =	swait.ge [sflag:s19], $0x500  }
0x97: {  	[sflag:s19] =	ssyncset.done $0x0  }
0x98: {  	s16 =	rddreg [dreg:$0x8];
	[sflag:s19] =	ssyncadd.s32 $0xFFFFFB00  }
0x99: {  	[hbm4b:s16+s3] =	stream.linear.scatter [tilespmem:s24], [sflag:$0x6], $0x2800, $0x38;
	[tilespmem:$0x6540] =	vst v63  }
0x9a: {  	_ =	swait.ge [sflag:s19], $0x2800  }
0x9b: {  	[sflag:s19] =	ssyncset.done $0x0  }
0x9c: {  	s17 =	simm.s32 $0x5;
	[sflag:s19] =	ssyncadd.s32 $0xFFFFD800  }
0x9d: {  	_ =	swait.ge [sflag:s17], $0x500  }
0x9e: {  	[sflag:s17] =	ssyncset.done $0x0  }
0x9f: {  	[sflag:s17] =	ssyncadd.s32 $0xFFFFFB00  }
0xa0: {  	_ =	swait.ge [sflag:s17], $0x2800  }
0xa1: {  	s12 =	sadd.s32 $0x1, s12;
	s18 =	rddreg [dreg:$0x9]  }
0xa2: {  	p0 =	sne.s32 s12, s18  }
.Ltmp5:
0xa3: {  	_ = 	snop;
	(pc) =	sbr.rel @p0 .LBB2_1-.Ltmp5, $3  }
0xa4: {  	_ =	sdelay $0x1  }
0xa5: {  	[sflag:s17] =	ssyncset.done $0x0  }
0xa6: {  	[sflag:s17] =	ssyncadd.s32 $0xFFFFD800  }
0xa7: {  	_ =	sfence.sel $0x180000  }
0xa8: {  	[bflag:$0x0] =	sbarrier.arrive $0xFFFF  }
0xa9: {  	_ =	strace $0x90000047  }
0xaa: {  	s0 =	stileid.u32;
	[bflag:$0x2] =	sbarrier.arrive $0xFFFF  }
0xab: {  	p0 =	sne.s32 s0, $0x0;
	s0 =	rddreg [dreg:$0x2]  }
0xac: {  	s0 =	sadd.s32 @!p0 $0x100000, s0  }
0xad: {  	[sflag:s0] =	ssyncadd.tile.s32 @!p0 $0x1;
	_ =	shalt  }
.Lfunc_end2:
_tile_overlayer_lowered:
.L_overlay_start_2:
0xae: {  	(tag) =	ssettag $0x2  }
0xaf: {  	s0 =	rddreg [dreg:$0x0];
	s2 =	stileid.u32  }
0xb0: {  	s1 =	rddreg [dreg:$0x1];
	p0 =	sne.s32 s2, $0x0  }
0xb1: {  	s3 =	rddreg [dreg:$0x2];
	[bflag:$0x3] =	sbarrier.arrive $0xFFFF;
	s2 =	simm.s32 @!p0 $0x1C06  }
0xb2: {  	[timem:s3], [sflag:s2] =	dma.local @!p0 [hbm:s0], s1  }
0xb3: {  	s0 =	simm.s32 @!p0 $0x6  }
0xb4: {  	_ =	swait.ge @!p0 [sflag:s0], s1  }
0xb5: {  	s1 =	ssub.s32 @!p0 $0x0, s1;
	[sflag:s0] =	ssyncset.done @!p0 $0x0  }
0xb6: {  	[sflag:s0] =	ssyncadd.s32 @!p0 s1  }
0xb7: {  	[bflag:$0x3] =	sbarrier.arrive $0xFFFF  }
0xb8: {  	_ =	shalt  }

</sc_bundles>
